<compile_context>
chip_gen: v7x
topology: tpu7x:2x2x1
jax: 0.10.2.dev20260603
libtpu: 0.0.44.dev20260713+nightly
codegen_flags: <defaults>
</compile_context>

<pallas_src>
import jax
import jax.numpy as jnp
from jax import lax
from jax.experimental import pallas as pl
from jax.experimental.pallas import tpu as pltpu
from jax.experimental.pallas import tpu_sc as plsc

N_NODES = 10000
N_EDGES = 320000
D = 128
DH = D // 2

NC = 2
NS = 16

EDGES_PER_T = N_EDGES // NS
CHUNK = 128
CHUNKS_PER_T = 156
TAIL = EDGES_PER_T - CHUNKS_PER_T * CHUNK
ACC_ROWS = 10112
ROWS_PER_TILE = ACC_ROWS // NS
DEG_W = 8
NB = 4


def _sc_body(edge_hbm, table_hbm, zacc_hbm, zdeg_hbm, ones_hbm,
             acc_out, deg_out,
             src_v, dst_v, b0, b1, b2, b3, ones_v, acc_sh, deg_sh,
             g0, g1, g2, g3, s0, s1, s2, s3, d0, d1, d2, d3):
    c = lax.axis_index("c")
    s = lax.axis_index("s")
    bufs = (b0, b1, b2, b3)
    gsem = (g0, g1, g2, g3)
    ssem = (s0, s1, s2, s3)
    dsem = (d0, d1, d2, d3)

    o0 = s * ROWS_PER_TILE
    pltpu.sync_copy(zacc_hbm, acc_sh.at[pl.ds(o0, ROWS_PER_TILE)])
    pltpu.sync_copy(zdeg_hbm, deg_sh.at[pl.ds(o0, ROWS_PER_TILE)])
    pltpu.sync_copy(ones_hbm, ones_v)
    e0 = s * EDGES_PER_T
    pltpu.sync_copy(edge_hbm.at[0, pl.ds(e0, EDGES_PER_T)], src_v)
    pltpu.sync_copy(edge_hbm.at[1, pl.ds(e0, EDGES_PER_T)], dst_v)

    def ixform(i, carry):
        v = src_v[pl.ds(i * 16, 16)]
        src_v[pl.ds(i * 16, 16)] = v * 2 + c
        return carry

    lax.fori_loop(0, EDGES_PER_T // 16, ixform, 0)
    plsc.subcore_barrier()

    def gstart(j, b):
        pltpu.async_copy(table_hbm.at[src_v.at[pl.ds(j * CHUNK, CHUNK)]],
                         bufs[b], gsem[b])

    def gwait(j, b):
        pltpu.make_async_copy(table_hbm.at[src_v.at[pl.ds(j * CHUNK, CHUNK)]],
                              bufs[b], gsem[b]).wait()

    def sstart(j, b, dwait_j=None):
        pltpu.async_copy(bufs[b], acc_sh.at[dst_v.at[pl.ds(j * CHUNK, CHUNK)]],
                         ssem[b], add=True)
        @pl.when(c == (b % 2))
        def _():
            if dwait_j is not None:
                pltpu.make_async_copy(
                    ones_v, deg_sh.at[dst_v.at[pl.ds(dwait_j * CHUNK, CHUNK)]],
                    dsem[b]).wait()
            pltpu.async_copy(ones_v,
                             deg_sh.at[dst_v.at[pl.ds(j * CHUNK, CHUNK)]],
                             dsem[b], add=True)

    def swait(j, b):
        pltpu.make_async_copy(bufs[b],
                              acc_sh.at[dst_v.at[pl.ds(j * CHUNK, CHUNK)]],
                              ssem[b]).wait()

    for j in range(NB):
        gstart(j, j)

    gwait(0, 0)
    sstart(0, 0)
    for b in range(1, NB):
        gwait(b, b)
        sstart(b, b)
        swait(b - 1, b - 1)
        gstart(b + NB - 1, b - 1)

    def ring_shift(j4, carry):
        for b in range(NB):
            j = NB * j4 + b
            prev = (b - 1) % NB
            gwait(j, b)
            sstart(j, b, dwait_j=j - NB)
            swait(j - 1, prev)
            gstart(j + NB - 1, prev)
        return carry

    lax.fori_loop(1, CHUNKS_PER_T // NB - 1, ring_shift, 0)
    last = CHUNKS_PER_T - NB
    for b in range(NB):
        j = last + b
        prev = (b - 1) % NB
        gwait(j, b)
        sstart(j, b, dwait_j=j - NB)
        swait(j - 1, prev)
        if b == 0:
            gstart(CHUNKS_PER_T - 1, NB - 1)
    swait(CHUNKS_PER_T - 1, NB - 1)
    for b in range(NB):
        @pl.when(c == (b % 2))
        def _(b=b):
            pltpu.make_async_copy(
                ones_v, deg_sh.at[dst_v.at[pl.ds((last + b) * CHUNK, CHUNK)]],
                dsem[b]).wait()

    t0 = CHUNKS_PER_T * CHUNK
    pltpu.async_copy(table_hbm.at[src_v.at[pl.ds(t0, TAIL)]],
                     b0.at[pl.ds(0, TAIL)], g0).wait()
    pltpu.sync_copy(b0.at[pl.ds(0, TAIL)],
                    acc_sh.at[dst_v.at[pl.ds(t0, TAIL)]], add=True)

    @pl.when(c == 0)
    def _():
        pltpu.sync_copy(ones_v.at[pl.ds(0, TAIL)],
                        deg_sh.at[dst_v.at[pl.ds(t0, TAIL)]], add=True)

    plsc.subcore_barrier()

    pltpu.sync_copy(acc_sh.at[pl.ds(o0, ROWS_PER_TILE)],
                    acc_out.at[c, pl.ds(o0, ROWS_PER_TILE)])
    pltpu.sync_copy(deg_sh.at[pl.ds(o0, ROWS_PER_TILE)],
                    deg_out.at[c, pl.ds(o0, ROWS_PER_TILE)])


_sc_aggregate = pl.kernel(
    _sc_body,
    out_type=(
        jax.ShapeDtypeStruct((NC, ACC_ROWS, DH), jnp.float32),
        jax.ShapeDtypeStruct((NC, ACC_ROWS, DEG_W), jnp.float32),
    ),
    mesh=plsc.VectorSubcoreMesh(core_axis_name="c", subcore_axis_name="s"),
    compiler_params=pltpu.CompilerParams(use_tc_tiling_on_sc=False),
    scratch_types=[
        pltpu.VMEM((EDGES_PER_T,), jnp.int32),
        pltpu.VMEM((EDGES_PER_T,), jnp.int32),
        pltpu.VMEM((CHUNK, DH), jnp.float32),
        pltpu.VMEM((CHUNK, DH), jnp.float32),
        pltpu.VMEM((CHUNK, DH), jnp.float32),
        pltpu.VMEM((CHUNK, DH), jnp.float32),
        pltpu.VMEM((CHUNK, DEG_W), jnp.float32),
        pltpu.VMEM_SHARED((ACC_ROWS, DH), jnp.float32),
        pltpu.VMEM_SHARED((ACC_ROWS, DEG_W), jnp.float32),
        pltpu.SemaphoreType.DMA,
        pltpu.SemaphoreType.DMA,
        pltpu.SemaphoreType.DMA,
        pltpu.SemaphoreType.DMA,
        pltpu.SemaphoreType.DMA,
        pltpu.SemaphoreType.DMA,
        pltpu.SemaphoreType.DMA,
        pltpu.SemaphoreType.DMA,
        pltpu.SemaphoreType.DMA,
        pltpu.SemaphoreType.DMA,
        pltpu.SemaphoreType.DMA,
        pltpu.SemaphoreType.DMA,
    ],
)


def _tc_body(feat_ref, acc_ref, deg_ref, wnl_ref, wnr_ref, ws_ref, b_ref,
             o_ref):
    deg = deg_ref[0, :, :1] + deg_ref[1, :, :1]
    inv = 1.0 / jnp.maximum(deg, 1.0)
    h0 = acc_ref[0] * inv
    h1 = acc_ref[1] * inv
    x = feat_ref[...]
    dn = (((1,), (1,)), ((), ()))
    o_ref[...] = (
        lax.dot_general(x, ws_ref[...], dn, preferred_element_type=jnp.float32)
        + lax.dot_general(h0, wnl_ref[...], dn, preferred_element_type=jnp.float32)
        + lax.dot_general(h1, wnr_ref[...], dn, preferred_element_type=jnp.float32)
        + b_ref[...]
    )


ROW_BLK = 2000

_tc_combine = pl.pallas_call(
    _tc_body,
    grid=(N_NODES // ROW_BLK,),
    in_specs=[
        pl.BlockSpec((ROW_BLK, D), lambda i: (i, 0)),
        pl.BlockSpec((NC, ROW_BLK, DH), lambda i: (0, i, 0)),
        pl.BlockSpec((NC, ROW_BLK, DEG_W), lambda i: (0, i, 0)),
        pl.BlockSpec((D, DH), lambda i: (0, 0)),
        pl.BlockSpec((D, DH), lambda i: (0, 0)),
        pl.BlockSpec((D, D), lambda i: (0, 0)),
        pl.BlockSpec((1, D), lambda i: (0, 0)),
    ],
    out_specs=pl.BlockSpec((ROW_BLK, D), lambda i: (i, 0)),
    out_shape=jax.ShapeDtypeStruct((N_NODES, D), jnp.float32),
)


@jax.jit
def kernel(feat, edge_index, W_neigh, W_self, b_self):
    table = feat.reshape(N_NODES * 2, DH)
    zacc = jnp.zeros((ROWS_PER_TILE, DH), jnp.float32)
    zdeg = jnp.zeros((ROWS_PER_TILE, DEG_W), jnp.float32)
    ones = jnp.ones((CHUNK, DEG_W), jnp.float32)

    acc, deg = _sc_aggregate(edge_index, table, zacc, zdeg, ones)

    return _tc_combine(feat, acc, deg,
                       W_neigh[:, :DH], W_neigh[:, DH:],
                       W_self, b_self.reshape(1, D))

# --- scband reference (transcript-rebuilt; emitter-appended) ---
"""Pipeline reference for scband-sagelayer-66726611911054 (READ-ONLY COPY).

The authoritative reference and input builder live on the scoring server;
editing this copy changes nothing except your own understanding.
"""

import jax, jax.numpy as jnp
import numpy as np

N_NODES = 10000
N_EDGES = 320000
D_IN = 128
D_OUT = 128


def setup_inputs(seed: int = 0) -> dict:
    key = jax.random.key(seed)
    k1, k2, k3, k4, k5 = jax.random.split(key, 5)
    feat = jax.random.normal(k1, (N_NODES, D_IN), dtype=jnp.float32)
    edge_index = jax.random.randint(k2, (2, N_EDGES), 0, N_NODES, dtype=jnp.int32)
    # Glorot uniform init, gain for relu = sqrt(2)
    gain = float(np.sqrt(2.0))
    limit = gain * float(np.sqrt(6.0 / (D_IN + D_OUT)))
    W_neigh = jax.random.uniform(k3, (D_OUT, D_IN), minval=-limit, maxval=limit, dtype=jnp.float32)
    W_self = jax.random.uniform(k4, (D_OUT, D_IN), minval=-limit, maxval=limit, dtype=jnp.float32)
    b_self = jnp.zeros((D_OUT,), dtype=jnp.float32)
    return {"feat": feat, "edge_index": edge_index, "W_neigh": W_neigh, "W_self": W_self, "b_self": b_self}


def reference(feat, edge_index, W_neigh, W_self, b_self):
    # SAGELayer with aggregator_type='mean', feat_drop=0 (identity at inference),
    # no edge_weight, no activation/norm.
    # lin_before_mp = (in_feats > out_feats) = (128 > 128) = False,
    # so: aggregate raw features with mean, then fc_neigh; add fc_self(h_self).
    src = edge_index[0]
    dst = edge_index[1]
    n = feat.shape[0]
    msgs = jnp.take(feat, src, axis=0)                       # gather: copy_u
    summed = jax.ops.segment_sum(msgs, dst, num_segments=n)  # scatter-add
    deg = jax.ops.segment_sum(jnp.ones((src.shape[0],), dtype=feat.dtype), dst, num_segments=n)
    h_neigh = jnp.where(deg[:, None] > 0, summed / jnp.maximum(deg, 1.0)[:, None], 0.0)
    h_neigh = h_neigh @ W_neigh.T                             # fc_neigh (no bias)
    h_self = feat @ W_self.T + b_self                         # fc_self (bias)
    rst = h_self + h_neigh
    return rst

if __name__ == "__main__":
    import jax
    _d = setup_inputs()
    print(jax.jit(kernel)(*tuple(_d.values())))

</pallas_src>

<mosaic_0001>
#map = affine_map<(d0, d1) -> (0, 0)>
#map1 = affine_map<(d0, d1) -> (0, 0, 0)>
module attributes {stable_mosaic.version = 14 : i64} {
  func.func @_sc_body(%arg0: i32, %arg1: i32, %arg2: memref<2x320000xi32, #tpu.memory_space<hbm>>, %arg3: memref<20000x64xf32, #tpu.memory_space<hbm>>, %arg4: memref<632x64xf32, #tpu.memory_space<hbm>>, %arg5: memref<632x8xf32, #tpu.memory_space<hbm>>, %arg6: memref<128x8xf32, #tpu.memory_space<hbm>>, %arg7: memref<2x10112x64xf32, #tpu.memory_space<hbm>>, %arg8: memref<2x10112x8xf32, #tpu.memory_space<hbm>>, %arg9: memref<20000xi32, #tpu.memory_space<vmem>>, %arg10: memref<20000xi32, #tpu.memory_space<vmem>>, %arg11: memref<128x64xf32, #tpu.memory_space<vmem>>, %arg12: memref<128x64xf32, #tpu.memory_space<vmem>>, %arg13: memref<128x64xf32, #tpu.memory_space<vmem>>, %arg14: memref<128x64xf32, #tpu.memory_space<vmem>>, %arg15: memref<128x8xf32, #tpu.memory_space<vmem>>, %arg16: memref<10112x64xf32, #tpu.memory_space<vmem_shared>>, %arg17: memref<10112x8xf32, #tpu.memory_space<vmem_shared>>, %arg18: memref<!tpu.dma_semaphore, #tpu.memory_space<semaphore_mem>>, %arg19: memref<!tpu.dma_semaphore, #tpu.memory_space<semaphore_mem>>, %arg20: memref<!tpu.dma_semaphore, #tpu.memory_space<semaphore_mem>>, %arg21: memref<!tpu.dma_semaphore, #tpu.memory_space<semaphore_mem>>, %arg22: memref<!tpu.dma_semaphore, #tpu.memory_space<semaphore_mem>>, %arg23: memref<!tpu.dma_semaphore, #tpu.memory_space<semaphore_mem>>, %arg24: memref<!tpu.dma_semaphore, #tpu.memory_space<semaphore_mem>>, %arg25: memref<!tpu.dma_semaphore, #tpu.memory_space<semaphore_mem>>, %arg26: memref<!tpu.dma_semaphore, #tpu.memory_space<semaphore_mem>>, %arg27: memref<!tpu.dma_semaphore, #tpu.memory_space<semaphore_mem>>, %arg28: memref<!tpu.dma_semaphore, #tpu.memory_space<semaphore_mem>>, %arg29: memref<!tpu.dma_semaphore, #tpu.memory_space<semaphore_mem>>) attributes {dimension_semantics = [#tpu.dimension_semantics<core_parallel>, #tpu.dimension_semantics<subcore_parallel>], iteration_bounds = array<i64: 2, 16>, scalar_prefetch = 0 : i64, scratch_operands = 21 : i64, tpu.core_type = #tpu.core_type<sc_vector_subcore>, window_params = [{transform_indices = #map}, {transform_indices = #map}, {transform_indices = #map}, {transform_indices = #map}, {transform_indices = #map}, {transform_indices = #map1}, {transform_indices = #map1}]} {
    %mul3A = arith.constant 632 : i32
    %mul3A_0 = arith.muli %arg1, %mul3A : i32
    "tpu.region"() ({
      %run_scoped3A_252 = tpu.sem_alloc : memref<!tpu.dma_semaphore, #tpu.memory_space<semaphore_mem>>
      %dma_start3A_253 = arith.constant 0 : i32
      %dma_start3A_254 = tpu.memref_slice %arg16[%mul3A_0, %dma_start3A_253] : memref<10112x64xf32, #tpu.memory_space<vmem_shared>> -> memref<632x64xf32, #tpu.memory_space<vmem_shared>>
      tpu.enqueue_dma source(%arg4 : memref<632x64xf32, #tpu.memory_space<hbm>>) target(%dma_start3A_254 : memref<632x64xf32, #tpu.memory_space<vmem_shared>>) target_semaphore(%run_scoped3A_252 : memref<!tpu.dma_semaphore, #tpu.memory_space<semaphore_mem>>)
      %dma_wait3A_255 = arith.constant 0 : i32
      %dma_wait3A_256 = tpu.memref_slice %arg16[%mul3A_0, %dma_wait3A_255] : memref<10112x64xf32, #tpu.memory_space<vmem_shared>> -> memref<632x64xf32, #tpu.memory_space<vmem_shared>>
      tpu.wait_dma2 semaphore(%run_scoped3A_252 : memref<!tpu.dma_semaphore, #tpu.memory_space<semaphore_mem>>) src(%arg4 : memref<632x64xf32, #tpu.memory_space<hbm>>) dst(%dma_wait3A_256 : memref<632x64xf32, #tpu.memory_space<vmem_shared>>)
      tpu.yield
    }) : () -> ()
    "tpu.region"() ({
      %run_scoped3A_252 = tpu.sem_alloc : memref<!tpu.dma_semaphore, #tpu.memory_space<semaphore_mem>>
      %dma_start3A_253 = arith.constant 0 : i32
      %dma_start3A_254 = tpu.memref_slice %arg17[%mul3A_0, %dma_start3A_253] : memref<10112x8xf32, #tpu.memory_space<vmem_shared>> -> memref<632x8xf32, #tpu.memory_space<vmem_shared>>
      tpu.enqueue_dma source(%arg5 : memref<632x8xf32, #tpu.memory_space<hbm>>) target(%dma_start3A_254 : memref<632x8xf32, #tpu.memory_space<vmem_shared>>) target_semaphore(%run_scoped3A_252 : memref<!tpu.dma_semaphore, #tpu.memory_space<semaphore_mem>>)
      %dma_wait3A_255 = arith.constant 0 : i32
      %dma_wait3A_256 = tpu.memref_slice %arg17[%mul3A_0, %dma_wait3A_255] : memref<10112x8xf32, #tpu.memory_space<vmem_shared>> -> memref<632x8xf32, #tpu.memory_space<vmem_shared>>
      tpu.wait_dma2 semaphore(%run_scoped3A_252 : memref<!tpu.dma_semaphore, #tpu.memory_space<semaphore_mem>>) src(%arg5 : memref<632x8xf32, #tpu.memory_space<hbm>>) dst(%dma_wait3A_256 : memref<632x8xf32, #tpu.memory_space<vmem_shared>>)
      tpu.yield
    }) : () -> ()
    "tpu.region"() ({
      %run_scoped3A_252 = tpu.sem_alloc : memref<!tpu.dma_semaphore, #tpu.memory_space<semaphore_mem>>
      tpu.enqueue_dma source(%arg6 : memref<128x8xf32, #tpu.memory_space<hbm>>) target(%arg15 : memref<128x8xf32, #tpu.memory_space<vmem>>) target_semaphore(%run_scoped3A_252 : memref<!tpu.dma_semaphore, #tpu.memory_space<semaphore_mem>>)
      tpu.wait_dma2 semaphore(%run_scoped3A_252 : memref<!tpu.dma_semaphore, #tpu.memory_space<semaphore_mem>>) src(%arg6 : memref<128x8xf32, #tpu.memory_space<hbm>>) dst(%arg15 : memref<128x8xf32, #tpu.memory_space<vmem>>)
      tpu.yield
    }) : () -> ()
    %mul3A_1 = arith.constant 20000 : i32
    %mul3A_2 = arith.muli %arg1, %mul3A_1 : i32
    %run_scoped3A = arith.constant 0 : i32
    "tpu.region"() ({
      %run_scoped3A_252 = tpu.sem_alloc : memref<!tpu.dma_semaphore, #tpu.memory_space<semaphore_mem>>
      %dma_start3A_253 = tpu.memref_slice %arg2[%run_scoped3A, %mul3A_2] : memref<2x320000xi32, #tpu.memory_space<hbm>> -> memref<1x20000xi32, #tpu.memory_space<hbm>>
      %dma_start3A_254 = tpu.memref_squeeze %dma_start3A_253 : memref<1x20000xi32, #tpu.memory_space<hbm>> -> memref<20000xi32, #tpu.memory_space<hbm>>
      %dma_start3A_255 = tpu.memref_slice %arg2[%run_scoped3A, %mul3A_2] : memref<2x320000xi32, #tpu.memory_space<hbm>> -> memref<1x20000xi32, #tpu.memory_space<hbm>>
      %dma_start3A_256 = tpu.memref_squeeze %dma_start3A_255 : memref<1x20000xi32, #tpu.memory_space<hbm>> -> memref<20000xi32, #tpu.memory_space<hbm>>
      tpu.enqueue_dma source(%dma_start3A_256 : memref<20000xi32, #tpu.memory_space<hbm>>) target(%arg9 : memref<20000xi32, #tpu.memory_space<vmem>>) target_semaphore(%run_scoped3A_252 : memref<!tpu.dma_semaphore, #tpu.memory_space<semaphore_mem>>)
      %dma_wait3A_257 = tpu.memref_slice %arg2[%run_scoped3A, %mul3A_2] : memref<2x320000xi32, #tpu.memory_space<hbm>> -> memref<1x20000xi32, #tpu.memory_space<hbm>>
      %dma_wait3A_258 = tpu.memref_squeeze %dma_wait3A_257 : memref<1x20000xi32, #tpu.memory_space<hbm>> -> memref<20000xi32, #tpu.memory_space<hbm>>
      %dma_wait3A_259 = tpu.memref_slice %arg2[%run_scoped3A, %mul3A_2] : memref<2x320000xi32, #tpu.memory_space<hbm>> -> memref<1x20000xi32, #tpu.memory_space<hbm>>
      %dma_wait3A_260 = tpu.memref_squeeze %dma_wait3A_259 : memref<1x20000xi32, #tpu.memory_space<hbm>> -> memref<20000xi32, #tpu.memory_space<hbm>>
      tpu.wait_dma2 semaphore(%run_scoped3A_252 : memref<!tpu.dma_semaphore, #tpu.memory_space<semaphore_mem>>) src(%dma_wait3A_260 : memref<20000xi32, #tpu.memory_space<hbm>>) dst(%arg9 : memref<20000xi32, #tpu.memory_space<vmem>>)
      tpu.yield
    }) : () -> ()
    %run_scoped3A_3 = arith.constant 1 : i32
    "tpu.region"() ({
      %run_scoped3A_252 = tpu.sem_alloc : memref<!tpu.dma_semaphore, #tpu.memory_space<semaphore_mem>>
      %dma_start3A_253 = tpu.memref_slice %arg2[%run_scoped3A_3, %mul3A_2] : memref<2x320000xi32, #tpu.memory_space<hbm>> -> memref<1x20000xi32, #tpu.memory_space<hbm>>
      %dma_start3A_254 = tpu.memref_squeeze %dma_start3A_253 : memref<1x20000xi32, #tpu.memory_space<hbm>> -> memref<20000xi32, #tpu.memory_space<hbm>>
      %dma_start3A_255 = tpu.memref_slice %arg2[%run_scoped3A_3, %mul3A_2] : memref<2x320000xi32, #tpu.memory_space<hbm>> -> memref<1x20000xi32, #tpu.memory_space<hbm>>
      %dma_start3A_256 = tpu.memref_squeeze %dma_start3A_255 : memref<1x20000xi32, #tpu.memory_space<hbm>> -> memref<20000xi32, #tpu.memory_space<hbm>>
      tpu.enqueue_dma source(%dma_start3A_256 : memref<20000xi32, #tpu.memory_space<hbm>>) target(%arg10 : memref<20000xi32, #tpu.memory_space<vmem>>) target_semaphore(%run_scoped3A_252 : memref<!tpu.dma_semaphore, #tpu.memory_space<semaphore_mem>>)
      %dma_wait3A_257 = tpu.memref_slice %arg2[%run_scoped3A_3, %mul3A_2] : memref<2x320000xi32, #tpu.memory_space<hbm>> -> memref<1x20000xi32, #tpu.memory_space<hbm>>
      %dma_wait3A_258 = tpu.memref_squeeze %dma_wait3A_257 : memref<1x20000xi32, #tpu.memory_space<hbm>> -> memref<20000xi32, #tpu.memory_space<hbm>>
      %dma_wait3A_259 = tpu.memref_slice %arg2[%run_scoped3A_3, %mul3A_2] : memref<2x320000xi32, #tpu.memory_space<hbm>> -> memref<1x20000xi32, #tpu.memory_space<hbm>>
      %dma_wait3A_260 = tpu.memref_squeeze %dma_wait3A_259 : memref<1x20000xi32, #tpu.memory_space<hbm>> -> memref<20000xi32, #tpu.memory_space<hbm>>
      tpu.wait_dma2 semaphore(%run_scoped3A_252 : memref<!tpu.dma_semaphore, #tpu.memory_space<semaphore_mem>>) src(%dma_wait3A_260 : memref<20000xi32, #tpu.memory_space<hbm>>) dst(%arg10 : memref<20000xi32, #tpu.memory_space<vmem>>)
      tpu.yield
    }) : () -> ()
    %scan3A = arith.constant 0 : i32
    %scan3A_4 = arith.constant 0 : i32
    %scan3A_5 = arith.constant 1250 : i32
    %scan3A_6 = arith.addi %scan3A_4, %scan3A_5 : i32
    %scan3A_7 = arith.constant 1 : i32
    scf.for %scan3A_252 = %scan3A_4 to %scan3A_6 step %scan3A_7  : i32 {
      %mul3A_253 = arith.constant 16 : i32
      %mul3A_254 = arith.muli %scan3A_252, %mul3A_253 : i32
      %get3A = arith.index_cast %mul3A_254 : i32 to index
      %get3A_255 = tpu.vector_load %arg9[%get3A] {strides = array<i32>} : memref<20000xi32, #tpu.memory_space<vmem>>, vector<16xi32>,
      %get3A_256 = vector.shape_cast %get3A_255 : vector<16xi32> to vector<16xi32>
      %mul3A_257 = arith.constant 2 : i32
      %mul3A_258 = vector.broadcast %mul3A_257 : i32 to vector<16xi32>
      %mul3A_259 = arith.muli %get3A_256, %mul3A_258 : vector<16xi32>
      %add3A = vector.broadcast %arg0 : i32 to vector<16xi32>
      %add3A_260 = arith.addi %mul3A_259, %add3A : vector<16xi32>
      %mul3A_261 = arith.constant 16 : i32
      %mul3A_262 = arith.muli %scan3A_252, %mul3A_261 : i32
      %swap3A = arith.index_cast %mul3A_262 : i32 to index
      %swap3A_263 = tpu.vector_load %arg9[%swap3A] {strides = array<i32>} : memref<20000xi32, #tpu.memory_space<vmem>>, vector<16xi32>,
      %swap3A_264 = vector.shape_cast %swap3A_263 : vector<16xi32> to vector<16xi32>
      %swap3A_265 = vector.shape_cast %add3A_260 : vector<16xi32> to vector<16xi32>
      tpu.vector_store %arg9[%swap3A], %swap3A_265 {strides = array<i32>} : memref<20000xi32, #tpu.memory_space<vmem>>, vector<16xi32>,
    }
    %scan3A_8 = arith.constant 1250 : i32
    %barrier3A = arith.constant 0 : index
    tpu.barrier barrier_id(%barrier3A)
    %dma_start3A = arith.constant 0 : i32
    %dma_start3A_9 = tpu.memref_slice %arg9[%dma_start3A] : memref<20000xi32, #tpu.memory_space<vmem>> -> memref<128xi32, #tpu.memory_space<vmem>>
    %dma_start3A_10 = arith.constant 0 : i32
    %dma_start3A_11 = arith.constant 0 : i32
    %dma_start3A_12 = tpu.memref_slice %arg3[%dma_start3A_10, %dma_start3A_11] : memref<20000x64xf32, #tpu.memory_space<hbm>> -> memref<20000x64xf32, #tpu.memory_space<hbm>>
    tpu.enqueue_indirect_dma source(%dma_start3A_12 : memref<20000x64xf32, #tpu.memory_space<hbm>>) target(%arg11 : memref<128x64xf32, #tpu.memory_space<vmem>>) offsets(%dma_start3A_9 : memref<128xi32, #tpu.memory_space<vmem>>) semaphore(%arg18 : memref<!tpu.dma_semaphore, #tpu.memory_space<semaphore_mem>>)
    %dma_start3A_13 = arith.constant 128 : i32
    %dma_start3A_14 = tpu.memref_slice %arg9[%dma_start3A_13] : memref<20000xi32, #tpu.memory_space<vmem>> -> memref<128xi32, #tpu.memory_space<vmem>>
    %dma_start3A_15 = arith.constant 0 : i32
    %dma_start3A_16 = arith.constant 0 : i32
    %dma_start3A_17 = tpu.memref_slice %arg3[%dma_start3A_15, %dma_start3A_16] : memref<20000x64xf32, #tpu.memory_space<hbm>> -> memref<20000x64xf32, #tpu.memory_space<hbm>>
    tpu.enqueue_indirect_dma source(%dma_start3A_17 : memref<20000x64xf32, #tpu.memory_space<hbm>>) target(%arg12 : memref<128x64xf32, #tpu.memory_space<vmem>>) offsets(%dma_start3A_14 : memref<128xi32, #tpu.memory_space<vmem>>) semaphore(%arg19 : memref<!tpu.dma_semaphore, #tpu.memory_space<semaphore_mem>>)
    %dma_start3A_18 = arith.constant 256 : i32
    %dma_start3A_19 = tpu.memref_slice %arg9[%dma_start3A_18] : memref<20000xi32, #tpu.memory_space<vmem>> -> memref<128xi32, #tpu.memory_space<vmem>>
    %dma_start3A_20 = arith.constant 0 : i32
    %dma_start3A_21 = arith.constant 0 : i32
    %dma_start3A_22 = tpu.memref_slice %arg3[%dma_start3A_20, %dma_start3A_21] : memref<20000x64xf32, #tpu.memory_space<hbm>> -> memref<20000x64xf32, #tpu.memory_space<hbm>>
    tpu.enqueue_indirect_dma source(%dma_start3A_22 : memref<20000x64xf32, #tpu.memory_space<hbm>>) target(%arg13 : memref<128x64xf32, #tpu.memory_space<vmem>>) offsets(%dma_start3A_19 : memref<128xi32, #tpu.memory_space<vmem>>) semaphore(%arg20 : memref<!tpu.dma_semaphore, #tpu.memory_space<semaphore_mem>>)
    %dma_start3A_23 = arith.constant 384 : i32
    %dma_start3A_24 = tpu.memref_slice %arg9[%dma_start3A_23] : memref<20000xi32, #tpu.memory_space<vmem>> -> memref<128xi32, #tpu.memory_space<vmem>>
    %dma_start3A_25 = arith.constant 0 : i32
    %dma_start3A_26 = arith.constant 0 : i32
    %dma_start3A_27 = tpu.memref_slice %arg3[%dma_start3A_25, %dma_start3A_26] : memref<20000x64xf32, #tpu.memory_space<hbm>> -> memref<20000x64xf32, #tpu.memory_space<hbm>>
    tpu.enqueue_indirect_dma source(%dma_start3A_27 : memref<20000x64xf32, #tpu.memory_space<hbm>>) target(%arg14 : memref<128x64xf32, #tpu.memory_space<vmem>>) offsets(%dma_start3A_24 : memref<128xi32, #tpu.memory_space<vmem>>) semaphore(%arg21 : memref<!tpu.dma_semaphore, #tpu.memory_space<semaphore_mem>>)
    %dma_wait3A = arith.constant 0 : i32
    %dma_wait3A_28 = tpu.memref_slice %arg9[%dma_wait3A] : memref<20000xi32, #tpu.memory_space<vmem>> -> memref<128xi32, #tpu.memory_space<vmem>>
    %dma_wait3A_29 = arith.constant 0 : i32
    %dma_wait3A_30 = arith.constant 0 : i32
    %dma_wait3A_31 = tpu.memref_slice %arg3[%dma_wait3A_29, %dma_wait3A_30] : memref<20000x64xf32, #tpu.memory_space<hbm>> -> memref<20000x64xf32, #tpu.memory_space<hbm>>
    tpu.wait_indirect_dma semaphore(%arg18 : memref<!tpu.dma_semaphore, #tpu.memory_space<semaphore_mem>>) src(%dma_wait3A_31 : memref<20000x64xf32, #tpu.memory_space<hbm>>) dst(%arg11 : memref<128x64xf32, #tpu.memory_space<vmem>>)
    %dma_start3A_32 = arith.constant 0 : i32
    %dma_start3A_33 = tpu.memref_slice %arg10[%dma_start3A_32] : memref<20000xi32, #tpu.memory_space<vmem>> -> memref<128xi32, #tpu.memory_space<vmem>>
    %dma_start3A_34 = arith.constant 0 : i32
    %dma_start3A_35 = arith.constant 0 : i32
    %dma_start3A_36 = tpu.memref_slice %arg16[%dma_start3A_34, %dma_start3A_35] : memref<10112x64xf32, #tpu.memory_space<vmem_shared>> -> memref<10112x64xf32, #tpu.memory_space<vmem_shared>>
    tpu.enqueue_indirect_dma source(%arg11 : memref<128x64xf32, #tpu.memory_space<vmem>>) target(%dma_start3A_36 : memref<10112x64xf32, #tpu.memory_space<vmem_shared>>) offsets(%dma_start3A_33 : memref<128xi32, #tpu.memory_space<vmem>>) semaphore(%arg22 : memref<!tpu.dma_semaphore, #tpu.memory_space<semaphore_mem>>) {add = true}
    %eq3A = arith.constant 0 : i32
    %eq3A_37 = arith.cmpi eq, %arg0, %eq3A : i32
    %convert_element_type3A = arith.extui %eq3A_37 : i1 to i32
    %cond3A = arith.constant 0 : i32
    %cond3A_38 = arith.cmpi ne, %convert_element_type3A, %cond3A : i32
    scf.if %cond3A_38 {
      %dma_start3A_252 = arith.constant 0 : i32
      %dma_start3A_253 = tpu.memref_slice %arg10[%dma_start3A_252] : memref<20000xi32, #tpu.memory_space<vmem>> -> memref<128xi32, #tpu.memory_space<vmem>>
      %dma_start3A_254 = arith.constant 0 : i32
      %dma_start3A_255 = arith.constant 0 : i32
      %dma_start3A_256 = tpu.memref_slice %arg17[%dma_start3A_254, %dma_start3A_255] : memref<10112x8xf32, #tpu.memory_space<vmem_shared>> -> memref<10112x8xf32, #tpu.memory_space<vmem_shared>>
      tpu.enqueue_indirect_dma source(%arg15 : memref<128x8xf32, #tpu.memory_space<vmem>>) target(%dma_start3A_256 : memref<10112x8xf32, #tpu.memory_space<vmem_shared>>) offsets(%dma_start3A_253 : memref<128xi32, #tpu.memory_space<vmem>>) semaphore(%arg26 : memref<!tpu.dma_semaphore, #tpu.memory_space<semaphore_mem>>) {add = true}
    } else {
    }
    %dma_wait3A_39 = arith.constant 128 : i32
    %dma_wait3A_40 = tpu.memref_slice %arg9[%dma_wait3A_39] : memref<20000xi32, #tpu.memory_space<vmem>> -> memref<128xi32, #tpu.memory_space<vmem>>
    %dma_wait3A_41 = arith.constant 0 : i32
    %dma_wait3A_42 = arith.constant 0 : i32
    %dma_wait3A_43 = tpu.memref_slice %arg3[%dma_wait3A_41, %dma_wait3A_42] : memref<20000x64xf32, #tpu.memory_space<hbm>> -> memref<20000x64xf32, #tpu.memory_space<hbm>>
    tpu.wait_indirect_dma semaphore(%arg19 : memref<!tpu.dma_semaphore, #tpu.memory_space<semaphore_mem>>) src(%dma_wait3A_43 : memref<20000x64xf32, #tpu.memory_space<hbm>>) dst(%arg12 : memref<128x64xf32, #tpu.memory_space<vmem>>)
    %dma_start3A_44 = arith.constant 128 : i32
    %dma_start3A_45 = tpu.memref_slice %arg10[%dma_start3A_44] : memref<20000xi32, #tpu.memory_space<vmem>> -> memref<128xi32, #tpu.memory_space<vmem>>
    %dma_start3A_46 = arith.constant 0 : i32
    %dma_start3A_47 = arith.constant 0 : i32
    %dma_start3A_48 = tpu.memref_slice %arg16[%dma_start3A_46, %dma_start3A_47] : memref<10112x64xf32, #tpu.memory_space<vmem_shared>> -> memref<10112x64xf32, #tpu.memory_space<vmem_shared>>
    tpu.enqueue_indirect_dma source(%arg12 : memref<128x64xf32, #tpu.memory_space<vmem>>) target(%dma_start3A_48 : memref<10112x64xf32, #tpu.memory_space<vmem_shared>>) offsets(%dma_start3A_45 : memref<128xi32, #tpu.memory_space<vmem>>) semaphore(%arg23 : memref<!tpu.dma_semaphore, #tpu.memory_space<semaphore_mem>>) {add = true}
    %eq3A_49 = arith.constant 1 : i32
    %eq3A_50 = arith.cmpi eq, %arg0, %eq3A_49 : i32
    %convert_element_type3A_51 = arith.extui %eq3A_50 : i1 to i32
    %cond3A_52 = arith.constant 0 : i32
    %cond3A_53 = arith.cmpi ne, %convert_element_type3A_51, %cond3A_52 : i32
    scf.if %cond3A_53 {
      %dma_start3A_252 = arith.constant 128 : i32
      %dma_start3A_253 = tpu.memref_slice %arg10[%dma_start3A_252] : memref<20000xi32, #tpu.memory_space<vmem>> -> memref<128xi32, #tpu.memory_space<vmem>>
      %dma_start3A_254 = arith.constant 0 : i32
      %dma_start3A_255 = arith.constant 0 : i32
      %dma_start3A_256 = tpu.memref_slice %arg17[%dma_start3A_254, %dma_start3A_255] : memref<10112x8xf32, #tpu.memory_space<vmem_shared>> -> memref<10112x8xf32, #tpu.memory_space<vmem_shared>>
      tpu.enqueue_indirect_dma source(%arg15 : memref<128x8xf32, #tpu.memory_space<vmem>>) target(%dma_start3A_256 : memref<10112x8xf32, #tpu.memory_space<vmem_shared>>) offsets(%dma_start3A_253 : memref<128xi32, #tpu.memory_space<vmem>>) semaphore(%arg27 : memref<!tpu.dma_semaphore, #tpu.memory_space<semaphore_mem>>) {add = true}
    } else {
    }
    %dma_wait3A_54 = arith.constant 0 : i32
    %dma_wait3A_55 = tpu.memref_slice %arg10[%dma_wait3A_54] : memref<20000xi32, #tpu.memory_space<vmem>> -> memref<128xi32, #tpu.memory_space<vmem>>
    %dma_wait3A_56 = arith.constant 0 : i32
    %dma_wait3A_57 = arith.constant 0 : i32
    %dma_wait3A_58 = tpu.memref_slice %arg16[%dma_wait3A_56, %dma_wait3A_57] : memref<10112x64xf32, #tpu.memory_space<vmem_shared>> -> memref<10112x64xf32, #tpu.memory_space<vmem_shared>>
    tpu.wait_indirect_dma semaphore(%arg22 : memref<!tpu.dma_semaphore, #tpu.memory_space<semaphore_mem>>) src(%arg11 : memref<128x64xf32, #tpu.memory_space<vmem>>) dst(%dma_wait3A_58 : memref<10112x64xf32, #tpu.memory_space<vmem_shared>>)
    %dma_start3A_59 = arith.constant 512 : i32
    %dma_start3A_60 = tpu.memref_slice %arg9[%dma_start3A_59] : memref<20000xi32, #tpu.memory_space<vmem>> -> memref<128xi32, #tpu.memory_space<vmem>>
    %dma_start3A_61 = arith.constant 0 : i32
    %dma_start3A_62 = arith.constant 0 : i32
    %dma_start3A_63 = tpu.memref_slice %arg3[%dma_start3A_61, %dma_start3A_62] : memref<20000x64xf32, #tpu.memory_space<hbm>> -> memref<20000x64xf32, #tpu.memory_space<hbm>>
    tpu.enqueue_indirect_dma source(%dma_start3A_63 : memref<20000x64xf32, #tpu.memory_space<hbm>>) target(%arg11 : memref<128x64xf32, #tpu.memory_space<vmem>>) offsets(%dma_start3A_60 : memref<128xi32, #tpu.memory_space<vmem>>) semaphore(%arg18 : memref<!tpu.dma_semaphore, #tpu.memory_space<semaphore_mem>>)
    %dma_wait3A_64 = arith.constant 256 : i32
    %dma_wait3A_65 = tpu.memref_slice %arg9[%dma_wait3A_64] : memref<20000xi32, #tpu.memory_space<vmem>> -> memref<128xi32, #tpu.memory_space<vmem>>
    %dma_wait3A_66 = arith.constant 0 : i32
    %dma_wait3A_67 = arith.constant 0 : i32
    %dma_wait3A_68 = tpu.memref_slice %arg3[%dma_wait3A_66, %dma_wait3A_67] : memref<20000x64xf32, #tpu.memory_space<hbm>> -> memref<20000x64xf32, #tpu.memory_space<hbm>>
    tpu.wait_indirect_dma semaphore(%arg20 : memref<!tpu.dma_semaphore, #tpu.memory_space<semaphore_mem>>) src(%dma_wait3A_68 : memref<20000x64xf32, #tpu.memory_space<hbm>>) dst(%arg13 : memref<128x64xf32, #tpu.memory_space<vmem>>)
    %dma_start3A_69 = arith.constant 256 : i32
    %dma_start3A_70 = tpu.memref_slice %arg10[%dma_start3A_69] : memref<20000xi32, #tpu.memory_space<vmem>> -> memref<128xi32, #tpu.memory_space<vmem>>
    %dma_start3A_71 = arith.constant 0 : i32
    %dma_start3A_72 = arith.constant 0 : i32
    %dma_start3A_73 = tpu.memref_slice %arg16[%dma_start3A_71, %dma_start3A_72] : memref<10112x64xf32, #tpu.memory_space<vmem_shared>> -> memref<10112x64xf32, #tpu.memory_space<vmem_shared>>
    tpu.enqueue_indirect_dma source(%arg13 : memref<128x64xf32, #tpu.memory_space<vmem>>) target(%dma_start3A_73 : memref<10112x64xf32, #tpu.memory_space<vmem_shared>>) offsets(%dma_start3A_70 : memref<128xi32, #tpu.memory_space<vmem>>) semaphore(%arg24 : memref<!tpu.dma_semaphore, #tpu.memory_space<semaphore_mem>>) {add = true}
    %eq3A_74 = arith.constant 0 : i32
    %eq3A_75 = arith.cmpi eq, %arg0, %eq3A_74 : i32
    %convert_element_type3A_76 = arith.extui %eq3A_75 : i1 to i32
    %cond3A_77 = arith.constant 0 : i32
    %cond3A_78 = arith.cmpi ne, %convert_element_type3A_76, %cond3A_77 : i32
    scf.if %cond3A_78 {
      %dma_start3A_252 = arith.constant 256 : i32
      %dma_start3A_253 = tpu.memref_slice %arg10[%dma_start3A_252] : memref<20000xi32, #tpu.memory_space<vmem>> -> memref<128xi32, #tpu.memory_space<vmem>>
      %dma_start3A_254 = arith.constant 0 : i32
      %dma_start3A_255 = arith.constant 0 : i32
      %dma_start3A_256 = tpu.memref_slice %arg17[%dma_start3A_254, %dma_start3A_255] : memref<10112x8xf32, #tpu.memory_space<vmem_shared>> -> memref<10112x8xf32, #tpu.memory_space<vmem_shared>>
      tpu.enqueue_indirect_dma source(%arg15 : memref<128x8xf32, #tpu.memory_space<vmem>>) target(%dma_start3A_256 : memref<10112x8xf32, #tpu.memory_space<vmem_shared>>) offsets(%dma_start3A_253 : memref<128xi32, #tpu.memory_space<vmem>>) semaphore(%arg28 : memref<!tpu.dma_semaphore, #tpu.memory_space<semaphore_mem>>) {add = true}
    } else {
    }
    %dma_wait3A_79 = arith.constant 128 : i32
    %dma_wait3A_80 = tpu.memref_slice %arg10[%dma_wait3A_79] : memref<20000xi32, #tpu.memory_space<vmem>> -> memref<128xi32, #tpu.memory_space<vmem>>
    %dma_wait3A_81 = arith.constant 0 : i32
    %dma_wait3A_82 = arith.constant 0 : i32
    %dma_wait3A_83 = tpu.memref_slice %arg16[%dma_wait3A_81, %dma_wait3A_82] : memref<10112x64xf32, #tpu.memory_space<vmem_shared>> -> memref<10112x64xf32, #tpu.memory_space<vmem_shared>>
    tpu.wait_indirect_dma semaphore(%arg23 : memref<!tpu.dma_semaphore, #tpu.memory_space<semaphore_mem>>) src(%arg12 : memref<128x64xf32, #tpu.memory_space<vmem>>) dst(%dma_wait3A_83 : memref<10112x64xf32, #tpu.memory_space<vmem_shared>>)
    %dma_start3A_84 = arith.constant 640 : i32
    %dma_start3A_85 = tpu.memref_slice %arg9[%dma_start3A_84] : memref<20000xi32, #tpu.memory_space<vmem>> -> memref<128xi32, #tpu.memory_space<vmem>>
    %dma_start3A_86 = arith.constant 0 : i32
    %dma_start3A_87 = arith.constant 0 : i32
    %dma_start3A_88 = tpu.memref_slice %arg3[%dma_start3A_86, %dma_start3A_87] : memref<20000x64xf32, #tpu.memory_space<hbm>> -> memref<20000x64xf32, #tpu.memory_space<hbm>>
    tpu.enqueue_indirect_dma source(%dma_start3A_88 : memref<20000x64xf32, #tpu.memory_space<hbm>>) target(%arg12 : memref<128x64xf32, #tpu.memory_space<vmem>>) offsets(%dma_start3A_85 : memref<128xi32, #tpu.memory_space<vmem>>) semaphore(%arg19 : memref<!tpu.dma_semaphore, #tpu.memory_space<semaphore_mem>>)
    %dma_wait3A_89 = arith.constant 384 : i32
    %dma_wait3A_90 = tpu.memref_slice %arg9[%dma_wait3A_89] : memref<20000xi32, #tpu.memory_space<vmem>> -> memref<128xi32, #tpu.memory_space<vmem>>
    %dma_wait3A_91 = arith.constant 0 : i32
    %dma_wait3A_92 = arith.constant 0 : i32
    %dma_wait3A_93 = tpu.memref_slice %arg3[%dma_wait3A_91, %dma_wait3A_92] : memref<20000x64xf32, #tpu.memory_space<hbm>> -> memref<20000x64xf32, #tpu.memory_space<hbm>>
    tpu.wait_indirect_dma semaphore(%arg21 : memref<!tpu.dma_semaphore, #tpu.memory_space<semaphore_mem>>) src(%dma_wait3A_93 : memref<20000x64xf32, #tpu.memory_space<hbm>>) dst(%arg14 : memref<128x64xf32, #tpu.memory_space<vmem>>)
    %dma_start3A_94 = arith.constant 384 : i32
    %dma_start3A_95 = tpu.memref_slice %arg10[%dma_start3A_94] : memref<20000xi32, #tpu.memory_space<vmem>> -> memref<128xi32, #tpu.memory_space<vmem>>
    %dma_start3A_96 = arith.constant 0 : i32
    %dma_start3A_97 = arith.constant 0 : i32
    %dma_start3A_98 = tpu.memref_slice %arg16[%dma_start3A_96, %dma_start3A_97] : memref<10112x64xf32, #tpu.memory_space<vmem_shared>> -> memref<10112x64xf32, #tpu.memory_space<vmem_shared>>
    tpu.enqueue_indirect_dma source(%arg14 : memref<128x64xf32, #tpu.memory_space<vmem>>) target(%dma_start3A_98 : memref<10112x64xf32, #tpu.memory_space<vmem_shared>>) offsets(%dma_start3A_95 : memref<128xi32, #tpu.memory_space<vmem>>) semaphore(%arg25 : memref<!tpu.dma_semaphore, #tpu.memory_space<semaphore_mem>>) {add = true}
    %eq3A_99 = arith.constant 1 : i32
    %eq3A_100 = arith.cmpi eq, %arg0, %eq3A_99 : i32
    %convert_element_type3A_101 = arith.extui %eq3A_100 : i1 to i32
    %cond3A_102 = arith.constant 0 : i32
    %cond3A_103 = arith.cmpi ne, %convert_element_type3A_101, %cond3A_102 : i32
    scf.if %cond3A_103 {
      %dma_start3A_252 = arith.constant 384 : i32
      %dma_start3A_253 = tpu.memref_slice %arg10[%dma_start3A_252] : memref<20000xi32, #tpu.memory_space<vmem>> -> memref<128xi32, #tpu.memory_space<vmem>>
      %dma_start3A_254 = arith.constant 0 : i32
      %dma_start3A_255 = arith.constant 0 : i32
      %dma_start3A_256 = tpu.memref_slice %arg17[%dma_start3A_254, %dma_start3A_255] : memref<10112x8xf32, #tpu.memory_space<vmem_shared>> -> memref<10112x8xf32, #tpu.memory_space<vmem_shared>>
      tpu.enqueue_indirect_dma source(%arg15 : memref<128x8xf32, #tpu.memory_space<vmem>>) target(%dma_start3A_256 : memref<10112x8xf32, #tpu.memory_space<vmem_shared>>) offsets(%dma_start3A_253 : memref<128xi32, #tpu.memory_space<vmem>>) semaphore(%arg29 : memref<!tpu.dma_semaphore, #tpu.memory_space<semaphore_mem>>) {add = true}
    } else {
    }
    %dma_wait3A_104 = arith.constant 256 : i32
    %dma_wait3A_105 = tpu.memref_slice %arg10[%dma_wait3A_104] : memref<20000xi32, #tpu.memory_space<vmem>> -> memref<128xi32, #tpu.memory_space<vmem>>
    %dma_wait3A_106 = arith.constant 0 : i32
    %dma_wait3A_107 = arith.constant 0 : i32
    %dma_wait3A_108 = tpu.memref_slice %arg16[%dma_wait3A_106, %dma_wait3A_107] : memref<10112x64xf32, #tpu.memory_space<vmem_shared>> -> memref<10112x64xf32, #tpu.memory_space<vmem_shared>>
    tpu.wait_indirect_dma semaphore(%arg24 : memref<!tpu.dma_semaphore, #tpu.memory_space<semaphore_mem>>) src(%arg13 : memref<128x64xf32, #tpu.memory_space<vmem>>) dst(%dma_wait3A_108 : memref<10112x64xf32, #tpu.memory_space<vmem_shared>>)
    %dma_start3A_109 = arith.constant 768 : i32
    %dma_start3A_110 = tpu.memref_slice %arg9[%dma_start3A_109] : memref<20000xi32, #tpu.memory_space<vmem>> -> memref<128xi32, #tpu.memory_space<vmem>>
    %dma_start3A_111 = arith.constant 0 : i32
    %dma_start3A_112 = arith.constant 0 : i32
    %dma_start3A_113 = tpu.memref_slice %arg3[%dma_start3A_111, %dma_start3A_112] : memref<20000x64xf32, #tpu.memory_space<hbm>> -> memref<20000x64xf32, #tpu.memory_space<hbm>>
    tpu.enqueue_indirect_dma source(%dma_start3A_113 : memref<20000x64xf32, #tpu.memory_space<hbm>>) target(%arg13 : memref<128x64xf32, #tpu.memory_space<vmem>>) offsets(%dma_start3A_110 : memref<128xi32, #tpu.memory_space<vmem>>) semaphore(%arg20 : memref<!tpu.dma_semaphore, #tpu.memory_space<semaphore_mem>>)
    %scan3A_114 = arith.constant 0 : i32
    %scan3A_115 = arith.constant 1 : i32
    %scan3A_116 = arith.constant 37 : i32
    %scan3A_117 = arith.addi %scan3A_115, %scan3A_116 : i32
    %scan3A_118 = arith.constant 1 : i32
    scf.for %scan3A_252 = %scan3A_115 to %scan3A_117 step %scan3A_118  : i32 {
      %mul3A_253 = arith.constant 4 : i32
      %mul3A_254 = arith.muli %mul3A_253, %scan3A_252 : i32
      %add3A = arith.constant 0 : i32
      %add3A_255 = arith.addi %mul3A_254, %add3A : i32
      %mul3A_256 = arith.constant 128 : i32
      %mul3A_257 = arith.muli %add3A_255, %mul3A_256 : i32
      %dma_wait3A_258 = tpu.memref_slice %arg9[%mul3A_257] : memref<20000xi32, #tpu.memory_space<vmem>> -> memref<128xi32, #tpu.memory_space<vmem>>
      %dma_wait3A_259 = arith.constant 0 : i32
      %dma_wait3A_260 = arith.constant 0 : i32
      %dma_wait3A_261 = tpu.memref_slice %arg3[%dma_wait3A_259, %dma_wait3A_260] : memref<20000x64xf32, #tpu.memory_space<hbm>> -> memref<20000x64xf32, #tpu.memory_space<hbm>>
      tpu.wait_indirect_dma semaphore(%arg18 : memref<!tpu.dma_semaphore, #tpu.memory_space<semaphore_mem>>) src(%dma_wait3A_261 : memref<20000x64xf32, #tpu.memory_space<hbm>>) dst(%arg11 : memref<128x64xf32, #tpu.memory_space<vmem>>)
      %sub3A = arith.constant 4 : i32
      %sub3A_262 = arith.subi %add3A_255, %sub3A : i32
      %mul3A_263 = arith.constant 128 : i32
      %mul3A_264 = arith.muli %add3A_255, %mul3A_263 : i32
      %dma_start3A_265 = tpu.memref_slice %arg10[%mul3A_264] : memref<20000xi32, #tpu.memory_space<vmem>> -> memref<128xi32, #tpu.memory_space<vmem>>
      %dma_start3A_266 = arith.constant 0 : i32
      %dma_start3A_267 = arith.constant 0 : i32
      %dma_start3A_268 = tpu.memref_slice %arg16[%dma_start3A_266, %dma_start3A_267] : memref<10112x64xf32, #tpu.memory_space<vmem_shared>> -> memref<10112x64xf32, #tpu.memory_space<vmem_shared>>
      tpu.enqueue_indirect_dma source(%arg11 : memref<128x64xf32, #tpu.memory_space<vmem>>) target(%dma_start3A_268 : memref<10112x64xf32, #tpu.memory_space<vmem_shared>>) offsets(%dma_start3A_265 : memref<128xi32, #tpu.memory_space<vmem>>) semaphore(%arg22 : memref<!tpu.dma_semaphore, #tpu.memory_space<semaphore_mem>>) {add = true}
      %eq3A_269 = arith.constant 0 : i32
      %eq3A_270 = arith.cmpi eq, %arg0, %eq3A_269 : i32
      %convert_element_type3A_271 = arith.extui %eq3A_270 : i1 to i32
      %cond3A_272 = arith.constant 0 : i32
      %cond3A_273 = arith.cmpi ne, %convert_element_type3A_271, %cond3A_272 : i32
      scf.if %cond3A_273 {
        %mul3A_415 = arith.constant 128 : i32
        %mul3A_416 = arith.muli %sub3A_262, %mul3A_415 : i32
        %dma_wait3A_417 = tpu.memref_slice %arg10[%mul3A_416] : memref<20000xi32, #tpu.memory_space<vmem>> -> memref<128xi32, #tpu.memory_space<vmem>>
        %dma_wait3A_418 = arith.constant 0 : i32
        %dma_wait3A_419 = arith.constant 0 : i32
        %dma_wait3A_420 = tpu.memref_slice %arg17[%dma_wait3A_418, %dma_wait3A_419] : memref<10112x8xf32, #tpu.memory_space<vmem_shared>> -> memref<10112x8xf32, #tpu.memory_space<vmem_shared>>
        tpu.wait_indirect_dma semaphore(%arg26 : memref<!tpu.dma_semaphore, #tpu.memory_space<semaphore_mem>>) src(%arg15 : memref<128x8xf32, #tpu.memory_space<vmem>>) dst(%dma_wait3A_420 : memref<10112x8xf32, #tpu.memory_space<vmem_shared>>)
        %mul3A_421 = arith.constant 128 : i32
        %mul3A_422 = arith.muli %add3A_255, %mul3A_421 : i32
        %dma_start3A_423 = tpu.memref_slice %arg10[%mul3A_422] : memref<20000xi32, #tpu.memory_space<vmem>> -> memref<128xi32, #tpu.memory_space<vmem>>
        %dma_start3A_424 = arith.constant 0 : i32
        %dma_start3A_425 = arith.constant 0 : i32
        %dma_start3A_426 = tpu.memref_slice %arg17[%dma_start3A_424, %dma_start3A_425] : memref<10112x8xf32, #tpu.memory_space<vmem_shared>> -> memref<10112x8xf32, #tpu.memory_space<vmem_shared>>
        tpu.enqueue_indirect_dma source(%arg15 : memref<128x8xf32, #tpu.memory_space<vmem>>) target(%dma_start3A_426 : memref<10112x8xf32, #tpu.memory_space<vmem_shared>>) offsets(%dma_start3A_423 : memref<128xi32, #tpu.memory_space<vmem>>) semaphore(%arg26 : memref<!tpu.dma_semaphore, #tpu.memory_space<semaphore_mem>>) {add = true}
      } else {
      }
      %sub3A_274 = arith.constant 1 : i32
      %sub3A_275 = arith.subi %add3A_255, %sub3A_274 : i32
      %mul3A_276 = arith.constant 128 : i32
      %mul3A_277 = arith.muli %sub3A_275, %mul3A_276 : i32
      %dma_wait3A_278 = tpu.memref_slice %arg10[%mul3A_277] : memref<20000xi32, #tpu.memory_space<vmem>> -> memref<128xi32, #tpu.memory_space<vmem>>
      %dma_wait3A_279 = arith.constant 0 : i32
      %dma_wait3A_280 = arith.constant 0 : i32
      %dma_wait3A_281 = tpu.memref_slice %arg16[%dma_wait3A_279, %dma_wait3A_280] : memref<10112x64xf32, #tpu.memory_space<vmem_shared>> -> memref<10112x64xf32, #tpu.memory_space<vmem_shared>>
      tpu.wait_indirect_dma semaphore(%arg25 : memref<!tpu.dma_semaphore, #tpu.memory_space<semaphore_mem>>) src(%arg14 : memref<128x64xf32, #tpu.memory_space<vmem>>) dst(%dma_wait3A_281 : memref<10112x64xf32, #tpu.memory_space<vmem_shared>>)
      %add3A_282 = arith.constant 4 : i32
      %add3A_283 = arith.addi %add3A_255, %add3A_282 : i32
      %sub3A_284 = arith.constant 1 : i32
      %sub3A_285 = arith.subi %add3A_283, %sub3A_284 : i32
      %mul3A_286 = arith.constant 128 : i32
      %mul3A_287 = arith.muli %sub3A_285, %mul3A_286 : i32
      %dma_start3A_288 = tpu.memref_slice %arg9[%mul3A_287] : memref<20000xi32, #tpu.memory_space<vmem>> -> memref<128xi32, #tpu.memory_space<vmem>>
      %dma_start3A_289 = arith.constant 0 : i32
      %dma_start3A_290 = arith.constant 0 : i32
      %dma_start3A_291 = tpu.memref_slice %arg3[%dma_start3A_289, %dma_start3A_290] : memref<20000x64xf32, #tpu.memory_space<hbm>> -> memref<20000x64xf32, #tpu.memory_space<hbm>>
      tpu.enqueue_indirect_dma source(%dma_start3A_291 : memref<20000x64xf32, #tpu.memory_space<hbm>>) target(%arg14 : memref<128x64xf32, #tpu.memory_space<vmem>>) offsets(%dma_start3A_288 : memref<128xi32, #tpu.memory_space<vmem>>) semaphore(%arg21 : memref<!tpu.dma_semaphore, #tpu.memory_space<semaphore_mem>>)
      %mul3A_292 = arith.constant 4 : i32
      %mul3A_293 = arith.muli %mul3A_292, %scan3A_252 : i32
      %add3A_294 = arith.constant 1 : i32
      %add3A_295 = arith.addi %mul3A_293, %add3A_294 : i32
      %mul3A_296 = arith.constant 128 : i32
      %mul3A_297 = arith.muli %add3A_295, %mul3A_296 : i32
      %dma_wait3A_298 = tpu.memref_slice %arg9[%mul3A_297] : memref<20000xi32, #tpu.memory_space<vmem>> -> memref<128xi32, #tpu.memory_space<vmem>>
      %dma_wait3A_299 = arith.constant 0 : i32
      %dma_wait3A_300 = arith.constant 0 : i32
      %dma_wait3A_301 = tpu.memref_slice %arg3[%dma_wait3A_299, %dma_wait3A_300] : memref<20000x64xf32, #tpu.memory_space<hbm>> -> memref<20000x64xf32, #tpu.memory_space<hbm>>
      tpu.wait_indirect_dma semaphore(%arg19 : memref<!tpu.dma_semaphore, #tpu.memory_space<semaphore_mem>>) src(%dma_wait3A_301 : memref<20000x64xf32, #tpu.memory_space<hbm>>) dst(%arg12 : memref<128x64xf32, #tpu.memory_space<vmem>>)
      %sub3A_302 = arith.constant 4 : i32
      %sub3A_303 = arith.subi %add3A_295, %sub3A_302 : i32
      %mul3A_304 = arith.constant 128 : i32
      %mul3A_305 = arith.muli %add3A_295, %mul3A_304 : i32
      %dma_start3A_306 = tpu.memref_slice %arg10[%mul3A_305] : memref<20000xi32, #tpu.memory_space<vmem>> -> memref<128xi32, #tpu.memory_space<vmem>>
      %dma_start3A_307 = arith.constant 0 : i32
      %dma_start3A_308 = arith.constant 0 : i32
      %dma_start3A_309 = tpu.memref_slice %arg16[%dma_start3A_307, %dma_start3A_308] : memref<10112x64xf32, #tpu.memory_space<vmem_shared>> -> memref<10112x64xf32, #tpu.memory_space<vmem_shared>>
      tpu.enqueue_indirect_dma source(%arg12 : memref<128x64xf32, #tpu.memory_space<vmem>>) target(%dma_start3A_309 : memref<10112x64xf32, #tpu.memory_space<vmem_shared>>) offsets(%dma_start3A_306 : memref<128xi32, #tpu.memory_space<vmem>>) semaphore(%arg23 : memref<!tpu.dma_semaphore, #tpu.memory_space<semaphore_mem>>) {add = true}
      %eq3A_310 = arith.constant 1 : i32
      %eq3A_311 = arith.cmpi eq, %arg0, %eq3A_310 : i32
      %convert_element_type3A_312 = arith.extui %eq3A_311 : i1 to i32
      %cond3A_313 = arith.constant 0 : i32
      %cond3A_314 = arith.cmpi ne, %convert_element_type3A_312, %cond3A_313 : i32
      scf.if %cond3A_314 {
        %mul3A_415 = arith.constant 128 : i32
        %mul3A_416 = arith.muli %sub3A_303, %mul3A_415 : i32
        %dma_wait3A_417 = tpu.memref_slice %arg10[%mul3A_416] : memref<20000xi32, #tpu.memory_space<vmem>> -> memref<128xi32, #tpu.memory_space<vmem>>
        %dma_wait3A_418 = arith.constant 0 : i32
        %dma_wait3A_419 = arith.constant 0 : i32
        %dma_wait3A_420 = tpu.memref_slice %arg17[%dma_wait3A_418, %dma_wait3A_419] : memref<10112x8xf32, #tpu.memory_space<vmem_shared>> -> memref<10112x8xf32, #tpu.memory_space<vmem_shared>>
        tpu.wait_indirect_dma semaphore(%arg27 : memref<!tpu.dma_semaphore, #tpu.memory_space<semaphore_mem>>) src(%arg15 : memref<128x8xf32, #tpu.memory_space<vmem>>) dst(%dma_wait3A_420 : memref<10112x8xf32, #tpu.memory_space<vmem_shared>>)
        %mul3A_421 = arith.constant 128 : i32
        %mul3A_422 = arith.muli %add3A_295, %mul3A_421 : i32
        %dma_start3A_423 = tpu.memref_slice %arg10[%mul3A_422] : memref<20000xi32, #tpu.memory_space<vmem>> -> memref<128xi32, #tpu.memory_space<vmem>>
        %dma_start3A_424 = arith.constant 0 : i32
        %dma_start3A_425 = arith.constant 0 : i32
        %dma_start3A_426 = tpu.memref_slice %arg17[%dma_start3A_424, %dma_start3A_425] : memref<10112x8xf32, #tpu.memory_space<vmem_shared>> -> memref<10112x8xf32, #tpu.memory_space<vmem_shared>>
        tpu.enqueue_indirect_dma source(%arg15 : memref<128x8xf32, #tpu.memory_space<vmem>>) target(%dma_start3A_426 : memref<10112x8xf32, #tpu.memory_space<vmem_shared>>) offsets(%dma_start3A_423 : memref<128xi32, #tpu.memory_space<vmem>>) semaphore(%arg27 : memref<!tpu.dma_semaphore, #tpu.memory_space<semaphore_mem>>) {add = true}
      } else {
      }
      %sub3A_315 = arith.constant 1 : i32
      %sub3A_316 = arith.subi %add3A_295, %sub3A_315 : i32
      %mul3A_317 = arith.constant 128 : i32
      %mul3A_318 = arith.muli %sub3A_316, %mul3A_317 : i32
      %dma_wait3A_319 = tpu.memref_slice %arg10[%mul3A_318] : memref<20000xi32, #tpu.memory_space<vmem>> -> memref<128xi32, #tpu.memory_space<vmem>>
      %dma_wait3A_320 = arith.constant 0 : i32
      %dma_wait3A_321 = arith.constant 0 : i32
      %dma_wait3A_322 = tpu.memref_slice %arg16[%dma_wait3A_320, %dma_wait3A_321] : memref<10112x64xf32, #tpu.memory_space<vmem_shared>> -> memref<10112x64xf32, #tpu.memory_space<vmem_shared>>
      tpu.wait_indirect_dma semaphore(%arg22 : memref<!tpu.dma_semaphore, #tpu.memory_space<semaphore_mem>>) src(%arg11 : memref<128x64xf32, #tpu.memory_space<vmem>>) dst(%dma_wait3A_322 : memref<10112x64xf32, #tpu.memory_space<vmem_shared>>)
      %add3A_323 = arith.constant 4 : i32
      %add3A_324 = arith.addi %add3A_295, %add3A_323 : i32
      %sub3A_325 = arith.constant 1 : i32
      %sub3A_326 = arith.subi %add3A_324, %sub3A_325 : i32
      %mul3A_327 = arith.constant 128 : i32
      %mul3A_328 = arith.muli %sub3A_326, %mul3A_327 : i32
      %dma_start3A_329 = tpu.memref_slice %arg9[%mul3A_328] : memref<20000xi32, #tpu.memory_space<vmem>> -> memref<128xi32, #tpu.memory_space<vmem>>
      %dma_start3A_330 = arith.constant 0 : i32
      %dma_start3A_331 = arith.constant 0 : i32
      %dma_start3A_332 = tpu.memref_slice %arg3[%dma_start3A_330, %dma_start3A_331] : memref<20000x64xf32, #tpu.memory_space<hbm>> -> memref<20000x64xf32, #tpu.memory_space<hbm>>
      tpu.enqueue_indirect_dma source(%dma_start3A_332 : memref<20000x64xf32, #tpu.memory_space<hbm>>) target(%arg11 : memref<128x64xf32, #tpu.memory_space<vmem>>) offsets(%dma_start3A_329 : memref<128xi32, #tpu.memory_space<vmem>>) semaphore(%arg18 : memref<!tpu.dma_semaphore, #tpu.memory_space<semaphore_mem>>)
      %mul3A_333 = arith.constant 4 : i32
      %mul3A_334 = arith.muli %mul3A_333, %scan3A_252 : i32
      %add3A_335 = arith.constant 2 : i32
      %add3A_336 = arith.addi %mul3A_334, %add3A_335 : i32
      %mul3A_337 = arith.constant 128 : i32
      %mul3A_338 = arith.muli %add3A_336, %mul3A_337 : i32
      %dma_wait3A_339 = tpu.memref_slice %arg9[%mul3A_338] : memref<20000xi32, #tpu.memory_space<vmem>> -> memref<128xi32, #tpu.memory_space<vmem>>
      %dma_wait3A_340 = arith.constant 0 : i32
      %dma_wait3A_341 = arith.constant 0 : i32
      %dma_wait3A_342 = tpu.memref_slice %arg3[%dma_wait3A_340, %dma_wait3A_341] : memref<20000x64xf32, #tpu.memory_space<hbm>> -> memref<20000x64xf32, #tpu.memory_space<hbm>>
      tpu.wait_indirect_dma semaphore(%arg20 : memref<!tpu.dma_semaphore, #tpu.memory_space<semaphore_mem>>) src(%dma_wait3A_342 : memref<20000x64xf32, #tpu.memory_space<hbm>>) dst(%arg13 : memref<128x64xf32, #tpu.memory_space<vmem>>)
      %sub3A_343 = arith.constant 4 : i32
      %sub3A_344 = arith.subi %add3A_336, %sub3A_343 : i32
      %mul3A_345 = arith.constant 128 : i32
      %mul3A_346 = arith.muli %add3A_336, %mul3A_345 : i32
      %dma_start3A_347 = tpu.memref_slice %arg10[%mul3A_346] : memref<20000xi32, #tpu.memory_space<vmem>> -> memref<128xi32, #tpu.memory_space<vmem>>
      %dma_start3A_348 = arith.constant 0 : i32
      %dma_start3A_349 = arith.constant 0 : i32
      %dma_start3A_350 = tpu.memref_slice %arg16[%dma_start3A_348, %dma_start3A_349] : memref<10112x64xf32, #tpu.memory_space<vmem_shared>> -> memref<10112x64xf32, #tpu.memory_space<vmem_shared>>
      tpu.enqueue_indirect_dma source(%arg13 : memref<128x64xf32, #tpu.memory_space<vmem>>) target(%dma_start3A_350 : memref<10112x64xf32, #tpu.memory_space<vmem_shared>>) offsets(%dma_start3A_347 : memref<128xi32, #tpu.memory_space<vmem>>) semaphore(%arg24 : memref<!tpu.dma_semaphore, #tpu.memory_space<semaphore_mem>>) {add = true}
      %eq3A_351 = arith.constant 0 : i32
      %eq3A_352 = arith.cmpi eq, %arg0, %eq3A_351 : i32
      %convert_element_type3A_353 = arith.extui %eq3A_352 : i1 to i32
      %cond3A_354 = arith.constant 0 : i32
      %cond3A_355 = arith.cmpi ne, %convert_element_type3A_353, %cond3A_354 : i32
      scf.if %cond3A_355 {
        %mul3A_415 = arith.constant 128 : i32
        %mul3A_416 = arith.muli %sub3A_344, %mul3A_415 : i32
        %dma_wait3A_417 = tpu.memref_slice %arg10[%mul3A_416] : memref<20000xi32, #tpu.memory_space<vmem>> -> memref<128xi32, #tpu.memory_space<vmem>>
        %dma_wait3A_418 = arith.constant 0 : i32
        %dma_wait3A_419 = arith.constant 0 : i32
        %dma_wait3A_420 = tpu.memref_slice %arg17[%dma_wait3A_418, %dma_wait3A_419] : memref<10112x8xf32, #tpu.memory_space<vmem_shared>> -> memref<10112x8xf32, #tpu.memory_space<vmem_shared>>
        tpu.wait_indirect_dma semaphore(%arg28 : memref<!tpu.dma_semaphore, #tpu.memory_space<semaphore_mem>>) src(%arg15 : memref<128x8xf32, #tpu.memory_space<vmem>>) dst(%dma_wait3A_420 : memref<10112x8xf32, #tpu.memory_space<vmem_shared>>)
        %mul3A_421 = arith.constant 128 : i32
        %mul3A_422 = arith.muli %add3A_336, %mul3A_421 : i32
        %dma_start3A_423 = tpu.memref_slice %arg10[%mul3A_422] : memref<20000xi32, #tpu.memory_space<vmem>> -> memref<128xi32, #tpu.memory_space<vmem>>
        %dma_start3A_424 = arith.constant 0 : i32
        %dma_start3A_425 = arith.constant 0 : i32
        %dma_start3A_426 = tpu.memref_slice %arg17[%dma_start3A_424, %dma_start3A_425] : memref<10112x8xf32, #tpu.memory_space<vmem_shared>> -> memref<10112x8xf32, #tpu.memory_space<vmem_shared>>
        tpu.enqueue_indirect_dma source(%arg15 : memref<128x8xf32, #tpu.memory_space<vmem>>) target(%dma_start3A_426 : memref<10112x8xf32, #tpu.memory_space<vmem_shared>>) offsets(%dma_start3A_423 : memref<128xi32, #tpu.memory_space<vmem>>) semaphore(%arg28 : memref<!tpu.dma_semaphore, #tpu.memory_space<semaphore_mem>>) {add = true}
      } else {
      }
      %sub3A_356 = arith.constant 1 : i32
      %sub3A_357 = arith.subi %add3A_336, %sub3A_356 : i32
      %mul3A_358 = arith.constant 128 : i32
      %mul3A_359 = arith.muli %sub3A_357, %mul3A_358 : i32
      %dma_wait3A_360 = tpu.memref_slice %arg10[%mul3A_359] : memref<20000xi32, #tpu.memory_space<vmem>> -> memref<128xi32, #tpu.memory_space<vmem>>
      %dma_wait3A_361 = arith.constant 0 : i32
      %dma_wait3A_362 = arith.constant 0 : i32
      %dma_wait3A_363 = tpu.memref_slice %arg16[%dma_wait3A_361, %dma_wait3A_362] : memref<10112x64xf32, #tpu.memory_space<vmem_shared>> -> memref<10112x64xf32, #tpu.memory_space<vmem_shared>>
      tpu.wait_indirect_dma semaphore(%arg23 : memref<!tpu.dma_semaphore, #tpu.memory_space<semaphore_mem>>) src(%arg12 : memref<128x64xf32, #tpu.memory_space<vmem>>) dst(%dma_wait3A_363 : memref<10112x64xf32, #tpu.memory_space<vmem_shared>>)
      %add3A_364 = arith.constant 4 : i32
      %add3A_365 = arith.addi %add3A_336, %add3A_364 : i32
      %sub3A_366 = arith.constant 1 : i32
      %sub3A_367 = arith.subi %add3A_365, %sub3A_366 : i32
      %mul3A_368 = arith.constant 128 : i32
      %mul3A_369 = arith.muli %sub3A_367, %mul3A_368 : i32
      %dma_start3A_370 = tpu.memref_slice %arg9[%mul3A_369] : memref<20000xi32, #tpu.memory_space<vmem>> -> memref<128xi32, #tpu.memory_space<vmem>>
      %dma_start3A_371 = arith.constant 0 : i32
      %dma_start3A_372 = arith.constant 0 : i32
      %dma_start3A_373 = tpu.memref_slice %arg3[%dma_start3A_371, %dma_start3A_372] : memref<20000x64xf32, #tpu.memory_space<hbm>> -> memref<20000x64xf32, #tpu.memory_space<hbm>>
      tpu.enqueue_indirect_dma source(%dma_start3A_373 : memref<20000x64xf32, #tpu.memory_space<hbm>>) target(%arg12 : memref<128x64xf32, #tpu.memory_space<vmem>>) offsets(%dma_start3A_370 : memref<128xi32, #tpu.memory_space<vmem>>) semaphore(%arg19 : memref<!tpu.dma_semaphore, #tpu.memory_space<semaphore_mem>>)
      %mul3A_374 = arith.constant 4 : i32
      %mul3A_375 = arith.muli %mul3A_374, %scan3A_252 : i32
      %add3A_376 = arith.constant 3 : i32
      %add3A_377 = arith.addi %mul3A_375, %add3A_376 : i32
      %mul3A_378 = arith.constant 128 : i32
      %mul3A_379 = arith.muli %add3A_377, %mul3A_378 : i32
      %dma_wait3A_380 = tpu.memref_slice %arg9[%mul3A_379] : memref<20000xi32, #tpu.memory_space<vmem>> -> memref<128xi32, #tpu.memory_space<vmem>>
      %dma_wait3A_381 = arith.constant 0 : i32
      %dma_wait3A_382 = arith.constant 0 : i32
      %dma_wait3A_383 = tpu.memref_slice %arg3[%dma_wait3A_381, %dma_wait3A_382] : memref<20000x64xf32, #tpu.memory_space<hbm>> -> memref<20000x64xf32, #tpu.memory_space<hbm>>
      tpu.wait_indirect_dma semaphore(%arg21 : memref<!tpu.dma_semaphore, #tpu.memory_space<semaphore_mem>>) src(%dma_wait3A_383 : memref<20000x64xf32, #tpu.memory_space<hbm>>) dst(%arg14 : memref<128x64xf32, #tpu.memory_space<vmem>>)
      %sub3A_384 = arith.constant 4 : i32
      %sub3A_385 = arith.subi %add3A_377, %sub3A_384 : i32
      %mul3A_386 = arith.constant 128 : i32
      %mul3A_387 = arith.muli %add3A_377, %mul3A_386 : i32
      %dma_start3A_388 = tpu.memref_slice %arg10[%mul3A_387] : memref<20000xi32, #tpu.memory_space<vmem>> -> memref<128xi32, #tpu.memory_space<vmem>>
      %dma_start3A_389 = arith.constant 0 : i32
      %dma_start3A_390 = arith.constant 0 : i32
      %dma_start3A_391 = tpu.memref_slice %arg16[%dma_start3A_389, %dma_start3A_390] : memref<10112x64xf32, #tpu.memory_space<vmem_shared>> -> memref<10112x64xf32, #tpu.memory_space<vmem_shared>>
      tpu.enqueue_indirect_dma source(%arg14 : memref<128x64xf32, #tpu.memory_space<vmem>>) target(%dma_start3A_391 : memref<10112x64xf32, #tpu.memory_space<vmem_shared>>) offsets(%dma_start3A_388 : memref<128xi32, #tpu.memory_space<vmem>>) semaphore(%arg25 : memref<!tpu.dma_semaphore, #tpu.memory_space<semaphore_mem>>) {add = true}
      %eq3A_392 = arith.constant 1 : i32
      %eq3A_393 = arith.cmpi eq, %arg0, %eq3A_392 : i32
      %convert_element_type3A_394 = arith.extui %eq3A_393 : i1 to i32
      %cond3A_395 = arith.constant 0 : i32
      %cond3A_396 = arith.cmpi ne, %convert_element_type3A_394, %cond3A_395 : i32
      scf.if %cond3A_396 {
        %mul3A_415 = arith.constant 128 : i32
        %mul3A_416 = arith.muli %sub3A_385, %mul3A_415 : i32
        %dma_wait3A_417 = tpu.memref_slice %arg10[%mul3A_416] : memref<20000xi32, #tpu.memory_space<vmem>> -> memref<128xi32, #tpu.memory_space<vmem>>
        %dma_wait3A_418 = arith.constant 0 : i32
        %dma_wait3A_419 = arith.constant 0 : i32
        %dma_wait3A_420 = tpu.memref_slice %arg17[%dma_wait3A_418, %dma_wait3A_419] : memref<10112x8xf32, #tpu.memory_space<vmem_shared>> -> memref<10112x8xf32, #tpu.memory_space<vmem_shared>>
        tpu.wait_indirect_dma semaphore(%arg29 : memref<!tpu.dma_semaphore, #tpu.memory_space<semaphore_mem>>) src(%arg15 : memref<128x8xf32, #tpu.memory_space<vmem>>) dst(%dma_wait3A_420 : memref<10112x8xf32, #tpu.memory_space<vmem_shared>>)
        %mul3A_421 = arith.constant 128 : i32
        %mul3A_422 = arith.muli %add3A_377, %mul3A_421 : i32
        %dma_start3A_423 = tpu.memref_slice %arg10[%mul3A_422] : memref<20000xi32, #tpu.memory_space<vmem>> -> memref<128xi32, #tpu.memory_space<vmem>>
        %dma_start3A_424 = arith.constant 0 : i32
        %dma_start3A_425 = arith.constant 0 : i32
        %dma_start3A_426 = tpu.memref_slice %arg17[%dma_start3A_424, %dma_start3A_425] : memref<10112x8xf32, #tpu.memory_space<vmem_shared>> -> memref<10112x8xf32, #tpu.memory_space<vmem_shared>>
        tpu.enqueue_indirect_dma source(%arg15 : memref<128x8xf32, #tpu.memory_space<vmem>>) target(%dma_start3A_426 : memref<10112x8xf32, #tpu.memory_space<vmem_shared>>) offsets(%dma_start3A_423 : memref<128xi32, #tpu.memory_space<vmem>>) semaphore(%arg29 : memref<!tpu.dma_semaphore, #tpu.memory_space<semaphore_mem>>) {add = true}
      } else {
      }
      %sub3A_397 = arith.constant 1 : i32
      %sub3A_398 = arith.subi %add3A_377, %sub3A_397 : i32
      %mul3A_399 = arith.constant 128 : i32
      %mul3A_400 = arith.muli %sub3A_398, %mul3A_399 : i32
      %dma_wait3A_401 = tpu.memref_slice %arg10[%mul3A_400] : memref<20000xi32, #tpu.memory_space<vmem>> -> memref<128xi32, #tpu.memory_space<vmem>>
      %dma_wait3A_402 = arith.constant 0 : i32
      %dma_wait3A_403 = arith.constant 0 : i32
      %dma_wait3A_404 = tpu.memref_slice %arg16[%dma_wait3A_402, %dma_wait3A_403] : memref<10112x64xf32, #tpu.memory_space<vmem_shared>> -> memref<10112x64xf32, #tpu.memory_space<vmem_shared>>
      tpu.wait_indirect_dma semaphore(%arg24 : memref<!tpu.dma_semaphore, #tpu.memory_space<semaphore_mem>>) src(%arg13 : memref<128x64xf32, #tpu.memory_space<vmem>>) dst(%dma_wait3A_404 : memref<10112x64xf32, #tpu.memory_space<vmem_shared>>)
      %add3A_405 = arith.constant 4 : i32
      %add3A_406 = arith.addi %add3A_377, %add3A_405 : i32
      %sub3A_407 = arith.constant 1 : i32
      %sub3A_408 = arith.subi %add3A_406, %sub3A_407 : i32
      %mul3A_409 = arith.constant 128 : i32
      %mul3A_410 = arith.muli %sub3A_408, %mul3A_409 : i32
      %dma_start3A_411 = tpu.memref_slice %arg9[%mul3A_410] : memref<20000xi32, #tpu.memory_space<vmem>> -> memref<128xi32, #tpu.memory_space<vmem>>
      %dma_start3A_412 = arith.constant 0 : i32
      %dma_start3A_413 = arith.constant 0 : i32
      %dma_start3A_414 = tpu.memref_slice %arg3[%dma_start3A_412, %dma_start3A_413] : memref<20000x64xf32, #tpu.memory_space<hbm>> -> memref<20000x64xf32, #tpu.memory_space<hbm>>
      tpu.enqueue_indirect_dma source(%dma_start3A_414 : memref<20000x64xf32, #tpu.memory_space<hbm>>) target(%arg13 : memref<128x64xf32, #tpu.memory_space<vmem>>) offsets(%dma_start3A_411 : memref<128xi32, #tpu.memory_space<vmem>>) semaphore(%arg20 : memref<!tpu.dma_semaphore, #tpu.memory_space<semaphore_mem>>)
    }
    %scan3A_119 = arith.constant 37 : i32
    %dma_wait3A_120 = arith.constant 19456 : i32
    %dma_wait3A_121 = tpu.memref_slice %arg9[%dma_wait3A_120] : memref<20000xi32, #tpu.memory_space<vmem>> -> memref<128xi32, #tpu.memory_space<vmem>>
    %dma_wait3A_122 = arith.constant 0 : i32
    %dma_wait3A_123 = arith.constant 0 : i32
    %dma_wait3A_124 = tpu.memref_slice %arg3[%dma_wait3A_122, %dma_wait3A_123] : memref<20000x64xf32, #tpu.memory_space<hbm>> -> memref<20000x64xf32, #tpu.memory_space<hbm>>
    tpu.wait_indirect_dma semaphore(%arg18 : memref<!tpu.dma_semaphore, #tpu.memory_space<semaphore_mem>>) src(%dma_wait3A_124 : memref<20000x64xf32, #tpu.memory_space<hbm>>) dst(%arg11 : memref<128x64xf32, #tpu.memory_space<vmem>>)
    %dma_start3A_125 = arith.constant 19456 : i32
    %dma_start3A_126 = tpu.memref_slice %arg10[%dma_start3A_125] : memref<20000xi32, #tpu.memory_space<vmem>> -> memref<128xi32, #tpu.memory_space<vmem>>
    %dma_start3A_127 = arith.constant 0 : i32
    %dma_start3A_128 = arith.constant 0 : i32
    %dma_start3A_129 = tpu.memref_slice %arg16[%dma_start3A_127, %dma_start3A_128] : memref<10112x64xf32, #tpu.memory_space<vmem_shared>> -> memref<10112x64xf32, #tpu.memory_space<vmem_shared>>
    tpu.enqueue_indirect_dma source(%arg11 : memref<128x64xf32, #tpu.memory_space<vmem>>) target(%dma_start3A_129 : memref<10112x64xf32, #tpu.memory_space<vmem_shared>>) offsets(%dma_start3A_126 : memref<128xi32, #tpu.memory_space<vmem>>) semaphore(%arg22 : memref<!tpu.dma_semaphore, #tpu.memory_space<semaphore_mem>>) {add = true}
    %eq3A_130 = arith.constant 0 : i32
    %eq3A_131 = arith.cmpi eq, %arg0, %eq3A_130 : i32
    %convert_element_type3A_132 = arith.extui %eq3A_131 : i1 to i32
    %cond3A_133 = arith.constant 0 : i32
    %cond3A_134 = arith.cmpi ne, %convert_element_type3A_132, %cond3A_133 : i32
    scf.if %cond3A_134 {
      %dma_wait3A_252 = arith.constant 18944 : i32
      %dma_wait3A_253 = tpu.memref_slice %arg10[%dma_wait3A_252] : memref<20000xi32, #tpu.memory_space<vmem>> -> memref<128xi32, #tpu.memory_space<vmem>>
      %dma_wait3A_254 = arith.constant 0 : i32
      %dma_wait3A_255 = arith.constant 0 : i32
      %dma_wait3A_256 = tpu.memref_slice %arg17[%dma_wait3A_254, %dma_wait3A_255] : memref<10112x8xf32, #tpu.memory_space<vmem_shared>> -> memref<10112x8xf32, #tpu.memory_space<vmem_shared>>
      tpu.wait_indirect_dma semaphore(%arg26 : memref<!tpu.dma_semaphore, #tpu.memory_space<semaphore_mem>>) src(%arg15 : memref<128x8xf32, #tpu.memory_space<vmem>>) dst(%dma_wait3A_256 : memref<10112x8xf32, #tpu.memory_space<vmem_shared>>)
      %dma_start3A_257 = arith.constant 19456 : i32
      %dma_start3A_258 = tpu.memref_slice %arg10[%dma_start3A_257] : memref<20000xi32, #tpu.memory_space<vmem>> -> memref<128xi32, #tpu.memory_space<vmem>>
      %dma_start3A_259 = arith.constant 0 : i32
      %dma_start3A_260 = arith.constant 0 : i32
      %dma_start3A_261 = tpu.memref_slice %arg17[%dma_start3A_259, %dma_start3A_260] : memref<10112x8xf32, #tpu.memory_space<vmem_shared>> -> memref<10112x8xf32, #tpu.memory_space<vmem_shared>>
      tpu.enqueue_indirect_dma source(%arg15 : memref<128x8xf32, #tpu.memory_space<vmem>>) target(%dma_start3A_261 : memref<10112x8xf32, #tpu.memory_space<vmem_shared>>) offsets(%dma_start3A_258 : memref<128xi32, #tpu.memory_space<vmem>>) semaphore(%arg26 : memref<!tpu.dma_semaphore, #tpu.memory_space<semaphore_mem>>) {add = true}
    } else {
    }
    %dma_wait3A_135 = arith.constant 19328 : i32
    %dma_wait3A_136 = tpu.memref_slice %arg10[%dma_wait3A_135] : memref<20000xi32, #tpu.memory_space<vmem>> -> memref<128xi32, #tpu.memory_space<vmem>>
    %dma_wait3A_137 = arith.constant 0 : i32
    %dma_wait3A_138 = arith.constant 0 : i32
    %dma_wait3A_139 = tpu.memref_slice %arg16[%dma_wait3A_137, %dma_wait3A_138] : memref<10112x64xf32, #tpu.memory_space<vmem_shared>> -> memref<10112x64xf32, #tpu.memory_space<vmem_shared>>
    tpu.wait_indirect_dma semaphore(%arg25 : memref<!tpu.dma_semaphore, #tpu.memory_space<semaphore_mem>>) src(%arg14 : memref<128x64xf32, #tpu.memory_space<vmem>>) dst(%dma_wait3A_139 : memref<10112x64xf32, #tpu.memory_space<vmem_shared>>)
    %dma_start3A_140 = arith.constant 19840 : i32
    %dma_start3A_141 = tpu.memref_slice %arg9[%dma_start3A_140] : memref<20000xi32, #tpu.memory_space<vmem>> -> memref<128xi32, #tpu.memory_space<vmem>>
    %dma_start3A_142 = arith.constant 0 : i32
    %dma_start3A_143 = arith.constant 0 : i32
    %dma_start3A_144 = tpu.memref_slice %arg3[%dma_start3A_142, %dma_start3A_143] : memref<20000x64xf32, #tpu.memory_space<hbm>> -> memref<20000x64xf32, #tpu.memory_space<hbm>>
    tpu.enqueue_indirect_dma source(%dma_start3A_144 : memref<20000x64xf32, #tpu.memory_space<hbm>>) target(%arg14 : memref<128x64xf32, #tpu.memory_space<vmem>>) offsets(%dma_start3A_141 : memref<128xi32, #tpu.memory_space<vmem>>) semaphore(%arg21 : memref<!tpu.dma_semaphore, #tpu.memory_space<semaphore_mem>>)
    %dma_wait3A_145 = arith.constant 19584 : i32
    %dma_wait3A_146 = tpu.memref_slice %arg9[%dma_wait3A_145] : memref<20000xi32, #tpu.memory_space<vmem>> -> memref<128xi32, #tpu.memory_space<vmem>>
    %dma_wait3A_147 = arith.constant 0 : i32
    %dma_wait3A_148 = arith.constant 0 : i32
    %dma_wait3A_149 = tpu.memref_slice %arg3[%dma_wait3A_147, %dma_wait3A_148] : memref<20000x64xf32, #tpu.memory_space<hbm>> -> memref<20000x64xf32, #tpu.memory_space<hbm>>
    tpu.wait_indirect_dma semaphore(%arg19 : memref<!tpu.dma_semaphore, #tpu.memory_space<semaphore_mem>>) src(%dma_wait3A_149 : memref<20000x64xf32, #tpu.memory_space<hbm>>) dst(%arg12 : memref<128x64xf32, #tpu.memory_space<vmem>>)
    %dma_start3A_150 = arith.constant 19584 : i32
    %dma_start3A_151 = tpu.memref_slice %arg10[%dma_start3A_150] : memref<20000xi32, #tpu.memory_space<vmem>> -> memref<128xi32, #tpu.memory_space<vmem>>
    %dma_start3A_152 = arith.constant 0 : i32
    %dma_start3A_153 = arith.constant 0 : i32
    %dma_start3A_154 = tpu.memref_slice %arg16[%dma_start3A_152, %dma_start3A_153] : memref<10112x64xf32, #tpu.memory_space<vmem_shared>> -> memref<10112x64xf32, #tpu.memory_space<vmem_shared>>
    tpu.enqueue_indirect_dma source(%arg12 : memref<128x64xf32, #tpu.memory_space<vmem>>) target(%dma_start3A_154 : memref<10112x64xf32, #tpu.memory_space<vmem_shared>>) offsets(%dma_start3A_151 : memref<128xi32, #tpu.memory_space<vmem>>) semaphore(%arg23 : memref<!tpu.dma_semaphore, #tpu.memory_space<semaphore_mem>>) {add = true}
    %eq3A_155 = arith.constant 1 : i32
    %eq3A_156 = arith.cmpi eq, %arg0, %eq3A_155 : i32
    %convert_element_type3A_157 = arith.extui %eq3A_156 : i1 to i32
    %cond3A_158 = arith.constant 0 : i32
    %cond3A_159 = arith.cmpi ne, %convert_element_type3A_157, %cond3A_158 : i32
    scf.if %cond3A_159 {
      %dma_wait3A_252 = arith.constant 19072 : i32
      %dma_wait3A_253 = tpu.memref_slice %arg10[%dma_wait3A_252] : memref<20000xi32, #tpu.memory_space<vmem>> -> memref<128xi32, #tpu.memory_space<vmem>>
      %dma_wait3A_254 = arith.constant 0 : i32
      %dma_wait3A_255 = arith.constant 0 : i32
      %dma_wait3A_256 = tpu.memref_slice %arg17[%dma_wait3A_254, %dma_wait3A_255] : memref<10112x8xf32, #tpu.memory_space<vmem_shared>> -> memref<10112x8xf32, #tpu.memory_space<vmem_shared>>
      tpu.wait_indirect_dma semaphore(%arg27 : memref<!tpu.dma_semaphore, #tpu.memory_space<semaphore_mem>>) src(%arg15 : memref<128x8xf32, #tpu.memory_space<vmem>>) dst(%dma_wait3A_256 : memref<10112x8xf32, #tpu.memory_space<vmem_shared>>)
      %dma_start3A_257 = arith.constant 19584 : i32
      %dma_start3A_258 = tpu.memref_slice %arg10[%dma_start3A_257] : memref<20000xi32, #tpu.memory_space<vmem>> -> memref<128xi32, #tpu.memory_space<vmem>>
      %dma_start3A_259 = arith.constant 0 : i32
      %dma_start3A_260 = arith.constant 0 : i32
      %dma_start3A_261 = tpu.memref_slice %arg17[%dma_start3A_259, %dma_start3A_260] : memref<10112x8xf32, #tpu.memory_space<vmem_shared>> -> memref<10112x8xf32, #tpu.memory_space<vmem_shared>>
      tpu.enqueue_indirect_dma source(%arg15 : memref<128x8xf32, #tpu.memory_space<vmem>>) target(%dma_start3A_261 : memref<10112x8xf32, #tpu.memory_space<vmem_shared>>) offsets(%dma_start3A_258 : memref<128xi32, #tpu.memory_space<vmem>>) semaphore(%arg27 : memref<!tpu.dma_semaphore, #tpu.memory_space<semaphore_mem>>) {add = true}
    } else {
    }
    %dma_wait3A_160 = arith.constant 19456 : i32
    %dma_wait3A_161 = tpu.memref_slice %arg10[%dma_wait3A_160] : memref<20000xi32, #tpu.memory_space<vmem>> -> memref<128xi32, #tpu.memory_space<vmem>>
    %dma_wait3A_162 = arith.constant 0 : i32
    %dma_wait3A_163 = arith.constant 0 : i32
    %dma_wait3A_164 = tpu.memref_slice %arg16[%dma_wait3A_162, %dma_wait3A_163] : memref<10112x64xf32, #tpu.memory_space<vmem_shared>> -> memref<10112x64xf32, #tpu.memory_space<vmem_shared>>
    tpu.wait_indirect_dma semaphore(%arg22 : memref<!tpu.dma_semaphore, #tpu.memory_space<semaphore_mem>>) src(%arg11 : memref<128x64xf32, #tpu.memory_space<vmem>>) dst(%dma_wait3A_164 : memref<10112x64xf32, #tpu.memory_space<vmem_shared>>)
    %dma_wait3A_165 = arith.constant 19712 : i32
    %dma_wait3A_166 = tpu.memref_slice %arg9[%dma_wait3A_165] : memref<20000xi32, #tpu.memory_space<vmem>> -> memref<128xi32, #tpu.memory_space<vmem>>
    %dma_wait3A_167 = arith.constant 0 : i32
    %dma_wait3A_168 = arith.constant 0 : i32
    %dma_wait3A_169 = tpu.memref_slice %arg3[%dma_wait3A_167, %dma_wait3A_168] : memref<20000x64xf32, #tpu.memory_space<hbm>> -> memref<20000x64xf32, #tpu.memory_space<hbm>>
    tpu.wait_indirect_dma semaphore(%arg20 : memref<!tpu.dma_semaphore, #tpu.memory_space<semaphore_mem>>) src(%dma_wait3A_169 : memref<20000x64xf32, #tpu.memory_space<hbm>>) dst(%arg13 : memref<128x64xf32, #tpu.memory_space<vmem>>)
    %dma_start3A_170 = arith.constant 19712 : i32
    %dma_start3A_171 = tpu.memref_slice %arg10[%dma_start3A_170] : memref<20000xi32, #tpu.memory_space<vmem>> -> memref<128xi32, #tpu.memory_space<vmem>>
    %dma_start3A_172 = arith.constant 0 : i32
    %dma_start3A_173 = arith.constant 0 : i32
    %dma_start3A_174 = tpu.memref_slice %arg16[%dma_start3A_172, %dma_start3A_173] : memref<10112x64xf32, #tpu.memory_space<vmem_shared>> -> memref<10112x64xf32, #tpu.memory_space<vmem_shared>>
    tpu.enqueue_indirect_dma source(%arg13 : memref<128x64xf32, #tpu.memory_space<vmem>>) target(%dma_start3A_174 : memref<10112x64xf32, #tpu.memory_space<vmem_shared>>) offsets(%dma_start3A_171 : memref<128xi32, #tpu.memory_space<vmem>>) semaphore(%arg24 : memref<!tpu.dma_semaphore, #tpu.memory_space<semaphore_mem>>) {add = true}
    %eq3A_175 = arith.constant 0 : i32
    %eq3A_176 = arith.cmpi eq, %arg0, %eq3A_175 : i32
    %convert_element_type3A_177 = arith.extui %eq3A_176 : i1 to i32
    %cond3A_178 = arith.constant 0 : i32
    %cond3A_179 = arith.cmpi ne, %convert_element_type3A_177, %cond3A_178 : i32
    scf.if %cond3A_179 {
      %dma_wait3A_252 = arith.constant 19200 : i32
      %dma_wait3A_253 = tpu.memref_slice %arg10[%dma_wait3A_252] : memref<20000xi32, #tpu.memory_space<vmem>> -> memref<128xi32, #tpu.memory_space<vmem>>
      %dma_wait3A_254 = arith.constant 0 : i32
      %dma_wait3A_255 = arith.constant 0 : i32
      %dma_wait3A_256 = tpu.memref_slice %arg17[%dma_wait3A_254, %dma_wait3A_255] : memref<10112x8xf32, #tpu.memory_space<vmem_shared>> -> memref<10112x8xf32, #tpu.memory_space<vmem_shared>>
      tpu.wait_indirect_dma semaphore(%arg28 : memref<!tpu.dma_semaphore, #tpu.memory_space<semaphore_mem>>) src(%arg15 : memref<128x8xf32, #tpu.memory_space<vmem>>) dst(%dma_wait3A_256 : memref<10112x8xf32, #tpu.memory_space<vmem_shared>>)
      %dma_start3A_257 = arith.constant 19712 : i32
      %dma_start3A_258 = tpu.memref_slice %arg10[%dma_start3A_257] : memref<20000xi32, #tpu.memory_space<vmem>> -> memref<128xi32, #tpu.memory_space<vmem>>
      %dma_start3A_259 = arith.constant 0 : i32
      %dma_start3A_260 = arith.constant 0 : i32
      %dma_start3A_261 = tpu.memref_slice %arg17[%dma_start3A_259, %dma_start3A_260] : memref<10112x8xf32, #tpu.memory_space<vmem_shared>> -> memref<10112x8xf32, #tpu.memory_space<vmem_shared>>
      tpu.enqueue_indirect_dma source(%arg15 : memref<128x8xf32, #tpu.memory_space<vmem>>) target(%dma_start3A_261 : memref<10112x8xf32, #tpu.memory_space<vmem_shared>>) offsets(%dma_start3A_258 : memref<128xi32, #tpu.memory_space<vmem>>) semaphore(%arg28 : memref<!tpu.dma_semaphore, #tpu.memory_space<semaphore_mem>>) {add = true}
    } else {
    }
    %dma_wait3A_180 = arith.constant 19584 : i32
    %dma_wait3A_181 = tpu.memref_slice %arg10[%dma_wait3A_180] : memref<20000xi32, #tpu.memory_space<vmem>> -> memref<128xi32, #tpu.memory_space<vmem>>
    %dma_wait3A_182 = arith.constant 0 : i32
    %dma_wait3A_183 = arith.constant 0 : i32
    %dma_wait3A_184 = tpu.memref_slice %arg16[%dma_wait3A_182, %dma_wait3A_183] : memref<10112x64xf32, #tpu.memory_space<vmem_shared>> -> memref<10112x64xf32, #tpu.memory_space<vmem_shared>>
    tpu.wait_indirect_dma semaphore(%arg23 : memref<!tpu.dma_semaphore, #tpu.memory_space<semaphore_mem>>) src(%arg12 : memref<128x64xf32, #tpu.memory_space<vmem>>) dst(%dma_wait3A_184 : memref<10112x64xf32, #tpu.memory_space<vmem_shared>>)
    %dma_wait3A_185 = arith.constant 19840 : i32
    %dma_wait3A_186 = tpu.memref_slice %arg9[%dma_wait3A_185] : memref<20000xi32, #tpu.memory_space<vmem>> -> memref<128xi32, #tpu.memory_space<vmem>>
    %dma_wait3A_187 = arith.constant 0 : i32
    %dma_wait3A_188 = arith.constant 0 : i32
    %dma_wait3A_189 = tpu.memref_slice %arg3[%dma_wait3A_187, %dma_wait3A_188] : memref<20000x64xf32, #tpu.memory_space<hbm>> -> memref<20000x64xf32, #tpu.memory_space<hbm>>
    tpu.wait_indirect_dma semaphore(%arg21 : memref<!tpu.dma_semaphore, #tpu.memory_space<semaphore_mem>>) src(%dma_wait3A_189 : memref<20000x64xf32, #tpu.memory_space<hbm>>) dst(%arg14 : memref<128x64xf32, #tpu.memory_space<vmem>>)
    %dma_start3A_190 = arith.constant 19840 : i32
    %dma_start3A_191 = tpu.memref_slice %arg10[%dma_start3A_190] : memref<20000xi32, #tpu.memory_space<vmem>> -> memref<128xi32, #tpu.memory_space<vmem>>
    %dma_start3A_192 = arith.constant 0 : i32
    %dma_start3A_193 = arith.constant 0 : i32
    %dma_start3A_194 = tpu.memref_slice %arg16[%dma_start3A_192, %dma_start3A_193] : memref<10112x64xf32, #tpu.memory_space<vmem_shared>> -> memref<10112x64xf32, #tpu.memory_space<vmem_shared>>
    tpu.enqueue_indirect_dma source(%arg14 : memref<128x64xf32, #tpu.memory_space<vmem>>) target(%dma_start3A_194 : memref<10112x64xf32, #tpu.memory_space<vmem_shared>>) offsets(%dma_start3A_191 : memref<128xi32, #tpu.memory_space<vmem>>) semaphore(%arg25 : memref<!tpu.dma_semaphore, #tpu.memory_space<semaphore_mem>>) {add = true}
    %eq3A_195 = arith.constant 1 : i32
    %eq3A_196 = arith.cmpi eq, %arg0, %eq3A_195 : i32
    %convert_element_type3A_197 = arith.extui %eq3A_196 : i1 to i32
    %cond3A_198 = arith.constant 0 : i32
    %cond3A_199 = arith.cmpi ne, %convert_element_type3A_197, %cond3A_198 : i32
    scf.if %cond3A_199 {
      %dma_wait3A_252 = arith.constant 19328 : i32
      %dma_wait3A_253 = tpu.memref_slice %arg10[%dma_wait3A_252] : memref<20000xi32, #tpu.memory_space<vmem>> -> memref<128xi32, #tpu.memory_space<vmem>>
      %dma_wait3A_254 = arith.constant 0 : i32
      %dma_wait3A_255 = arith.constant 0 : i32
      %dma_wait3A_256 = tpu.memref_slice %arg17[%dma_wait3A_254, %dma_wait3A_255] : memref<10112x8xf32, #tpu.memory_space<vmem_shared>> -> memref<10112x8xf32, #tpu.memory_space<vmem_shared>>
      tpu.wait_indirect_dma semaphore(%arg29 : memref<!tpu.dma_semaphore, #tpu.memory_space<semaphore_mem>>) src(%arg15 : memref<128x8xf32, #tpu.memory_space<vmem>>) dst(%dma_wait3A_256 : memref<10112x8xf32, #tpu.memory_space<vmem_shared>>)
      %dma_start3A_257 = arith.constant 19840 : i32
      %dma_start3A_258 = tpu.memref_slice %arg10[%dma_start3A_257] : memref<20000xi32, #tpu.memory_space<vmem>> -> memref<128xi32, #tpu.memory_space<vmem>>
      %dma_start3A_259 = arith.constant 0 : i32
      %dma_start3A_260 = arith.constant 0 : i32
      %dma_start3A_261 = tpu.memref_slice %arg17[%dma_start3A_259, %dma_start3A_260] : memref<10112x8xf32, #tpu.memory_space<vmem_shared>> -> memref<10112x8xf32, #tpu.memory_space<vmem_shared>>
      tpu.enqueue_indirect_dma source(%arg15 : memref<128x8xf32, #tpu.memory_space<vmem>>) target(%dma_start3A_261 : memref<10112x8xf32, #tpu.memory_space<vmem_shared>>) offsets(%dma_start3A_258 : memref<128xi32, #tpu.memory_space<vmem>>) semaphore(%arg29 : memref<!tpu.dma_semaphore, #tpu.memory_space<semaphore_mem>>) {add = true}
    } else {
    }
    %dma_wait3A_200 = arith.constant 19712 : i32
    %dma_wait3A_201 = tpu.memref_slice %arg10[%dma_wait3A_200] : memref<20000xi32, #tpu.memory_space<vmem>> -> memref<128xi32, #tpu.memory_space<vmem>>
    %dma_wait3A_202 = arith.constant 0 : i32
    %dma_wait3A_203 = arith.constant 0 : i32
    %dma_wait3A_204 = tpu.memref_slice %arg16[%dma_wait3A_202, %dma_wait3A_203] : memref<10112x64xf32, #tpu.memory_space<vmem_shared>> -> memref<10112x64xf32, #tpu.memory_space<vmem_shared>>
    tpu.wait_indirect_dma semaphore(%arg24 : memref<!tpu.dma_semaphore, #tpu.memory_space<semaphore_mem>>) src(%arg13 : memref<128x64xf32, #tpu.memory_space<vmem>>) dst(%dma_wait3A_204 : memref<10112x64xf32, #tpu.memory_space<vmem_shared>>)
    %dma_wait3A_205 = arith.constant 19840 : i32
    %dma_wait3A_206 = tpu.memref_slice %arg10[%dma_wait3A_205] : memref<20000xi32, #tpu.memory_space<vmem>> -> memref<128xi32, #tpu.memory_space<vmem>>
    %dma_wait3A_207 = arith.constant 0 : i32
    %dma_wait3A_208 = arith.constant 0 : i32
    %dma_wait3A_209 = tpu.memref_slice %arg16[%dma_wait3A_207, %dma_wait3A_208] : memref<10112x64xf32, #tpu.memory_space<vmem_shared>> -> memref<10112x64xf32, #tpu.memory_space<vmem_shared>>
    tpu.wait_indirect_dma semaphore(%arg25 : memref<!tpu.dma_semaphore, #tpu.memory_space<semaphore_mem>>) src(%arg14 : memref<128x64xf32, #tpu.memory_space<vmem>>) dst(%dma_wait3A_209 : memref<10112x64xf32, #tpu.memory_space<vmem_shared>>)
    %eq3A_210 = arith.constant 0 : i32
    %eq3A_211 = arith.cmpi eq, %arg0, %eq3A_210 : i32
    %convert_element_type3A_212 = arith.extui %eq3A_211 : i1 to i32
    %cond3A_213 = arith.constant 0 : i32
    %cond3A_214 = arith.cmpi ne, %convert_element_type3A_212, %cond3A_213 : i32
    scf.if %cond3A_214 {
      %dma_wait3A_252 = arith.constant 19456 : i32
      %dma_wait3A_253 = tpu.memref_slice %arg10[%dma_wait3A_252] : memref<20000xi32, #tpu.memory_space<vmem>> -> memref<128xi32, #tpu.memory_space<vmem>>
      %dma_wait3A_254 = arith.constant 0 : i32
      %dma_wait3A_255 = arith.constant 0 : i32
      %dma_wait3A_256 = tpu.memref_slice %arg17[%dma_wait3A_254, %dma_wait3A_255] : memref<10112x8xf32, #tpu.memory_space<vmem_shared>> -> memref<10112x8xf32, #tpu.memory_space<vmem_shared>>
      tpu.wait_indirect_dma semaphore(%arg26 : memref<!tpu.dma_semaphore, #tpu.memory_space<semaphore_mem>>) src(%arg15 : memref<128x8xf32, #tpu.memory_space<vmem>>) dst(%dma_wait3A_256 : memref<10112x8xf32, #tpu.memory_space<vmem_shared>>)
    } else {
    }
    %eq3A_215 = arith.constant 1 : i32
    %eq3A_216 = arith.cmpi eq, %arg0, %eq3A_215 : i32
    %convert_element_type3A_217 = arith.extui %eq3A_216 : i1 to i32
    %cond3A_218 = arith.constant 0 : i32
    %cond3A_219 = arith.cmpi ne, %convert_element_type3A_217, %cond3A_218 : i32
    scf.if %cond3A_219 {
      %dma_wait3A_252 = arith.constant 19584 : i32
      %dma_wait3A_253 = tpu.memref_slice %arg10[%dma_wait3A_252] : memref<20000xi32, #tpu.memory_space<vmem>> -> memref<128xi32, #tpu.memory_space<vmem>>
      %dma_wait3A_254 = arith.constant 0 : i32
      %dma_wait3A_255 = arith.constant 0 : i32
      %dma_wait3A_256 = tpu.memref_slice %arg17[%dma_wait3A_254, %dma_wait3A_255] : memref<10112x8xf32, #tpu.memory_space<vmem_shared>> -> memref<10112x8xf32, #tpu.memory_space<vmem_shared>>
      tpu.wait_indirect_dma semaphore(%arg27 : memref<!tpu.dma_semaphore, #tpu.memory_space<semaphore_mem>>) src(%arg15 : memref<128x8xf32, #tpu.memory_space<vmem>>) dst(%dma_wait3A_256 : memref<10112x8xf32, #tpu.memory_space<vmem_shared>>)
    } else {
    }
    %eq3A_220 = arith.constant 0 : i32
    %eq3A_221 = arith.cmpi eq, %arg0, %eq3A_220 : i32
    %convert_element_type3A_222 = arith.extui %eq3A_221 : i1 to i32
    %cond3A_223 = arith.constant 0 : i32
    %cond3A_224 = arith.cmpi ne, %convert_element_type3A_222, %cond3A_223 : i32
    scf.if %cond3A_224 {
      %dma_wait3A_252 = arith.constant 19712 : i32
      %dma_wait3A_253 = tpu.memref_slice %arg10[%dma_wait3A_252] : memref<20000xi32, #tpu.memory_space<vmem>> -> memref<128xi32, #tpu.memory_space<vmem>>
      %dma_wait3A_254 = arith.constant 0 : i32
      %dma_wait3A_255 = arith.constant 0 : i32
      %dma_wait3A_256 = tpu.memref_slice %arg17[%dma_wait3A_254, %dma_wait3A_255] : memref<10112x8xf32, #tpu.memory_space<vmem_shared>> -> memref<10112x8xf32, #tpu.memory_space<vmem_shared>>
      tpu.wait_indirect_dma semaphore(%arg28 : memref<!tpu.dma_semaphore, #tpu.memory_space<semaphore_mem>>) src(%arg15 : memref<128x8xf32, #tpu.memory_space<vmem>>) dst(%dma_wait3A_256 : memref<10112x8xf32, #tpu.memory_space<vmem_shared>>)
    } else {
    }
    %eq3A_225 = arith.constant 1 : i32
    %eq3A_226 = arith.cmpi eq, %arg0, %eq3A_225 : i32
    %convert_element_type3A_227 = arith.extui %eq3A_226 : i1 to i32
    %cond3A_228 = arith.constant 0 : i32
    %cond3A_229 = arith.cmpi ne, %convert_element_type3A_227, %cond3A_228 : i32
    scf.if %cond3A_229 {
      %dma_wait3A_252 = arith.constant 19840 : i32
      %dma_wait3A_253 = tpu.memref_slice %arg10[%dma_wait3A_252] : memref<20000xi32, #tpu.memory_space<vmem>> -> memref<128xi32, #tpu.memory_space<vmem>>
      %dma_wait3A_254 = arith.constant 0 : i32
      %dma_wait3A_255 = arith.constant 0 : i32
      %dma_wait3A_256 = tpu.memref_slice %arg17[%dma_wait3A_254, %dma_wait3A_255] : memref<10112x8xf32, #tpu.memory_space<vmem_shared>> -> memref<10112x8xf32, #tpu.memory_space<vmem_shared>>
      tpu.wait_indirect_dma semaphore(%arg29 : memref<!tpu.dma_semaphore, #tpu.memory_space<semaphore_mem>>) src(%arg15 : memref<128x8xf32, #tpu.memory_space<vmem>>) dst(%dma_wait3A_256 : memref<10112x8xf32, #tpu.memory_space<vmem_shared>>)
    } else {
    }
    %dma_start3A_230 = arith.constant 0 : i32
    %dma_start3A_231 = arith.constant 0 : i32
    %dma_start3A_232 = tpu.memref_slice %arg11[%dma_start3A_230, %dma_start3A_231] : memref<128x64xf32, #tpu.memory_space<vmem>> -> memref<32x64xf32, #tpu.memory_space<vmem>>
    %dma_start3A_233 = arith.constant 19968 : i32
    %dma_start3A_234 = tpu.memref_slice %arg9[%dma_start3A_233] : memref<20000xi32, #tpu.memory_space<vmem>> -> memref<32xi32, #tpu.memory_space<vmem>>
    %dma_start3A_235 = arith.constant 0 : i32
    %dma_start3A_236 = arith.constant 0 : i32
    %dma_start3A_237 = tpu.memref_slice %arg3[%dma_start3A_235, %dma_start3A_236] : memref<20000x64xf32, #tpu.memory_space<hbm>> -> memref<20000x64xf32, #tpu.memory_space<hbm>>
    tpu.enqueue_indirect_dma source(%dma_start3A_237 : memref<20000x64xf32, #tpu.memory_space<hbm>>) target(%dma_start3A_232 : memref<32x64xf32, #tpu.memory_space<vmem>>) offsets(%dma_start3A_234 : memref<32xi32, #tpu.memory_space<vmem>>) semaphore(%arg18 : memref<!tpu.dma_semaphore, #tpu.memory_space<semaphore_mem>>)
    %dma_wait3A_238 = arith.constant 0 : i32
    %dma_wait3A_239 = arith.constant 0 : i32
    %dma_wait3A_240 = tpu.memref_slice %arg11[%dma_wait3A_238, %dma_wait3A_239] : memref<128x64xf32, #tpu.memory_space<vmem>> -> memref<32x64xf32, #tpu.memory_space<vmem>>
    %dma_wait3A_241 = arith.constant 19968 : i32
    %dma_wait3A_242 = tpu.memref_slice %arg9[%dma_wait3A_241] : memref<20000xi32, #tpu.memory_space<vmem>> -> memref<32xi32, #tpu.memory_space<vmem>>
    %dma_wait3A_243 = arith.constant 0 : i32
    %dma_wait3A_244 = arith.constant 0 : i32
    %dma_wait3A_245 = tpu.memref_slice %arg3[%dma_wait3A_243, %dma_wait3A_244] : memref<20000x64xf32, #tpu.memory_space<hbm>> -> memref<20000x64xf32, #tpu.memory_space<hbm>>
    tpu.wait_indirect_dma semaphore(%arg18 : memref<!tpu.dma_semaphore, #tpu.memory_space<semaphore_mem>>) src(%dma_wait3A_245 : memref<20000x64xf32, #tpu.memory_space<hbm>>) dst(%dma_wait3A_240 : memref<32x64xf32, #tpu.memory_space<vmem>>)
    "tpu.region"() ({
      %run_scoped3A_252 = tpu.sem_alloc : memref<!tpu.dma_semaphore, #tpu.memory_space<semaphore_mem>>
      %dma_start3A_253 = arith.constant 0 : i32
      %dma_start3A_254 = arith.constant 0 : i32
      %dma_start3A_255 = tpu.memref_slice %arg11[%dma_start3A_253, %dma_start3A_254] : memref<128x64xf32, #tpu.memory_space<vmem>> -> memref<32x64xf32, #tpu.memory_space<vmem>>
      %dma_start3A_256 = arith.constant 19968 : i32
      %dma_start3A_257 = tpu.memref_slice %arg10[%dma_start3A_256] : memref<20000xi32, #tpu.memory_space<vmem>> -> memref<32xi32, #tpu.memory_space<vmem>>
      %dma_start3A_258 = arith.constant 0 : i32
      %dma_start3A_259 = arith.constant 0 : i32
      %dma_start3A_260 = tpu.memref_slice %arg16[%dma_start3A_258, %dma_start3A_259] : memref<10112x64xf32, #tpu.memory_space<vmem_shared>> -> memref<10112x64xf32, #tpu.memory_space<vmem_shared>>
      tpu.enqueue_indirect_dma source(%dma_start3A_255 : memref<32x64xf32, #tpu.memory_space<vmem>>) target(%dma_start3A_260 : memref<10112x64xf32, #tpu.memory_space<vmem_shared>>) offsets(%dma_start3A_257 : memref<32xi32, #tpu.memory_space<vmem>>) semaphore(%run_scoped3A_252 : memref<!tpu.dma_semaphore, #tpu.memory_space<semaphore_mem>>) {add = true}
      %dma_wait3A_261 = arith.constant 0 : i32
      %dma_wait3A_262 = arith.constant 0 : i32
      %dma_wait3A_263 = tpu.memref_slice %arg11[%dma_wait3A_261, %dma_wait3A_262] : memref<128x64xf32, #tpu.memory_space<vmem>> -> memref<32x64xf32, #tpu.memory_space<vmem>>
      %dma_wait3A_264 = arith.constant 19968 : i32
      %dma_wait3A_265 = tpu.memref_slice %arg10[%dma_wait3A_264] : memref<20000xi32, #tpu.memory_space<vmem>> -> memref<32xi32, #tpu.memory_space<vmem>>
      %dma_wait3A_266 = arith.constant 0 : i32
      %dma_wait3A_267 = arith.constant 0 : i32
      %dma_wait3A_268 = tpu.memref_slice %arg16[%dma_wait3A_266, %dma_wait3A_267] : memref<10112x64xf32, #tpu.memory_space<vmem_shared>> -> memref<10112x64xf32, #tpu.memory_space<vmem_shared>>
      tpu.wait_indirect_dma semaphore(%run_scoped3A_252 : memref<!tpu.dma_semaphore, #tpu.memory_space<semaphore_mem>>) src(%dma_wait3A_263 : memref<32x64xf32, #tpu.memory_space<vmem>>) dst(%dma_wait3A_268 : memref<10112x64xf32, #tpu.memory_space<vmem_shared>>)
      tpu.yield
    }) : () -> ()
    %eq3A_246 = arith.constant 0 : i32
    %eq3A_247 = arith.cmpi eq, %arg0, %eq3A_246 : i32
    %convert_element_type3A_248 = arith.extui %eq3A_247 : i1 to i32
    %cond3A_249 = arith.constant 0 : i32
    %cond3A_250 = arith.cmpi ne, %convert_element_type3A_248, %cond3A_249 : i32
    scf.if %cond3A_250 {
      "tpu.region"() ({
        %run_scoped3A_252 = tpu.sem_alloc : memref<!tpu.dma_semaphore, #tpu.memory_space<semaphore_mem>>
        %dma_start3A_253 = arith.constant 0 : i32
        %dma_start3A_254 = arith.constant 0 : i32
        %dma_start3A_255 = tpu.memref_slice %arg15[%dma_start3A_253, %dma_start3A_254] : memref<128x8xf32, #tpu.memory_space<vmem>> -> memref<32x8xf32, #tpu.memory_space<vmem>>
        %dma_start3A_256 = arith.constant 19968 : i32
        %dma_start3A_257 = tpu.memref_slice %arg10[%dma_start3A_256] : memref<20000xi32, #tpu.memory_space<vmem>> -> memref<32xi32, #tpu.memory_space<vmem>>
        %dma_start3A_258 = arith.constant 0 : i32
        %dma_start3A_259 = arith.constant 0 : i32
        %dma_start3A_260 = tpu.memref_slice %arg17[%dma_start3A_258, %dma_start3A_259] : memref<10112x8xf32, #tpu.memory_space<vmem_shared>> -> memref<10112x8xf32, #tpu.memory_space<vmem_shared>>
        tpu.enqueue_indirect_dma source(%dma_start3A_255 : memref<32x8xf32, #tpu.memory_space<vmem>>) target(%dma_start3A_260 : memref<10112x8xf32, #tpu.memory_space<vmem_shared>>) offsets(%dma_start3A_257 : memref<32xi32, #tpu.memory_space<vmem>>) semaphore(%run_scoped3A_252 : memref<!tpu.dma_semaphore, #tpu.memory_space<semaphore_mem>>) {add = true}
        %dma_wait3A_261 = arith.constant 0 : i32
        %dma_wait3A_262 = arith.constant 0 : i32
        %dma_wait3A_263 = tpu.memref_slice %arg15[%dma_wait3A_261, %dma_wait3A_262] : memref<128x8xf32, #tpu.memory_space<vmem>> -> memref<32x8xf32, #tpu.memory_space<vmem>>
        %dma_wait3A_264 = arith.constant 19968 : i32
        %dma_wait3A_265 = tpu.memref_slice %arg10[%dma_wait3A_264] : memref<20000xi32, #tpu.memory_space<vmem>> -> memref<32xi32, #tpu.memory_space<vmem>>
        %dma_wait3A_266 = arith.constant 0 : i32
        %dma_wait3A_267 = arith.constant 0 : i32
        %dma_wait3A_268 = tpu.memref_slice %arg17[%dma_wait3A_266, %dma_wait3A_267] : memref<10112x8xf32, #tpu.memory_space<vmem_shared>> -> memref<10112x8xf32, #tpu.memory_space<vmem_shared>>
        tpu.wait_indirect_dma semaphore(%run_scoped3A_252 : memref<!tpu.dma_semaphore, #tpu.memory_space<semaphore_mem>>) src(%dma_wait3A_263 : memref<32x8xf32, #tpu.memory_space<vmem>>) dst(%dma_wait3A_268 : memref<10112x8xf32, #tpu.memory_space<vmem_shared>>)
        tpu.yield
      }) : () -> ()
    } else {
    }
    %barrier3A_251 = arith.constant 0 : index
    tpu.barrier barrier_id(%barrier3A_251)
    "tpu.region"() ({
      %run_scoped3A_252 = tpu.sem_alloc : memref<!tpu.dma_semaphore, #tpu.memory_space<semaphore_mem>>
      %dma_start3A_253 = arith.constant 0 : i32
      %dma_start3A_254 = tpu.memref_slice %arg7[%arg0, %mul3A_0, %dma_start3A_253] : memref<2x10112x64xf32, #tpu.memory_space<hbm>> -> memref<1x632x64xf32, #tpu.memory_space<hbm>>
      %dma_start3A_255 = tpu.memref_squeeze %dma_start3A_254 : memref<1x632x64xf32, #tpu.memory_space<hbm>> -> memref<632x64xf32, #tpu.memory_space<hbm>>
      %dma_start3A_256 = arith.constant 0 : i32
      %dma_start3A_257 = tpu.memref_slice %arg16[%mul3A_0, %dma_start3A_256] : memref<10112x64xf32, #tpu.memory_space<vmem_shared>> -> memref<632x64xf32, #tpu.memory_space<vmem_shared>>
      tpu.enqueue_dma source(%dma_start3A_257 : memref<632x64xf32, #tpu.memory_space<vmem_shared>>) target(%dma_start3A_255 : memref<632x64xf32, #tpu.memory_space<hbm>>) target_semaphore(%run_scoped3A_252 : memref<!tpu.dma_semaphore, #tpu.memory_space<semaphore_mem>>)
      %dma_wait3A_258 = arith.constant 0 : i32
      %dma_wait3A_259 = tpu.memref_slice %arg7[%arg0, %mul3A_0, %dma_wait3A_258] : memref<2x10112x64xf32, #tpu.memory_space<hbm>> -> memref<1x632x64xf32, #tpu.memory_space<hbm>>
      %dma_wait3A_260 = tpu.memref_squeeze %dma_wait3A_259 : memref<1x632x64xf32, #tpu.memory_space<hbm>> -> memref<632x64xf32, #tpu.memory_space<hbm>>
      %dma_wait3A_261 = arith.constant 0 : i32
      %dma_wait3A_262 = tpu.memref_slice %arg16[%mul3A_0, %dma_wait3A_261] : memref<10112x64xf32, #tpu.memory_space<vmem_shared>> -> memref<632x64xf32, #tpu.memory_space<vmem_shared>>
      tpu.wait_dma2 semaphore(%run_scoped3A_252 : memref<!tpu.dma_semaphore, #tpu.memory_space<semaphore_mem>>) src(%dma_wait3A_262 : memref<632x64xf32, #tpu.memory_space<vmem_shared>>) dst(%dma_wait3A_260 : memref<632x64xf32, #tpu.memory_space<hbm>>)
      tpu.yield
    }) : () -> ()
    "tpu.region"() ({
      %run_scoped3A_252 = tpu.sem_alloc : memref<!tpu.dma_semaphore, #tpu.memory_space<semaphore_mem>>
      %dma_start3A_253 = arith.constant 0 : i32
      %dma_start3A_254 = tpu.memref_slice %arg8[%arg0, %mul3A_0, %dma_start3A_253] : memref<2x10112x8xf32, #tpu.memory_space<hbm>> -> memref<1x632x8xf32, #tpu.memory_space<hbm>>
      %dma_start3A_255 = tpu.memref_squeeze %dma_start3A_254 : memref<1x632x8xf32, #tpu.memory_space<hbm>> -> memref<632x8xf32, #tpu.memory_space<hbm>>
      %dma_start3A_256 = arith.constant 0 : i32
      %dma_start3A_257 = tpu.memref_slice %arg17[%mul3A_0, %dma_start3A_256] : memref<10112x8xf32, #tpu.memory_space<vmem_shared>> -> memref<632x8xf32, #tpu.memory_space<vmem_shared>>
      tpu.enqueue_dma source(%dma_start3A_257 : memref<632x8xf32, #tpu.memory_space<vmem_shared>>) target(%dma_start3A_255 : memref<632x8xf32, #tpu.memory_space<hbm>>) target_semaphore(%run_scoped3A_252 : memref<!tpu.dma_semaphore, #tpu.memory_space<semaphore_mem>>)
      %dma_wait3A_258 = arith.constant 0 : i32
      %dma_wait3A_259 = tpu.memref_slice %arg8[%arg0, %mul3A_0, %dma_wait3A_258] : memref<2x10112x8xf32, #tpu.memory_space<hbm>> -> memref<1x632x8xf32, #tpu.memory_space<hbm>>
      %dma_wait3A_260 = tpu.memref_squeeze %dma_wait3A_259 : memref<1x632x8xf32, #tpu.memory_space<hbm>> -> memref<632x8xf32, #tpu.memory_space<hbm>>
      %dma_wait3A_261 = arith.constant 0 : i32
      %dma_wait3A_262 = tpu.memref_slice %arg17[%mul3A_0, %dma_wait3A_261] : memref<10112x8xf32, #tpu.memory_space<vmem_shared>> -> memref<632x8xf32, #tpu.memory_space<vmem_shared>>
      tpu.wait_dma2 semaphore(%run_scoped3A_252 : memref<!tpu.dma_semaphore, #tpu.memory_space<semaphore_mem>>) src(%dma_wait3A_262 : memref<632x8xf32, #tpu.memory_space<vmem_shared>>) dst(%dma_wait3A_260 : memref<632x8xf32, #tpu.memory_space<hbm>>)
      tpu.yield
    }) : () -> ()
    return
  }
}

module attributes {stable_mosaic.version = 14 : i64} {
  func.func @_tc_body(%arg0: i32, %arg1: memref<2000x128xf32, #tpu.memory_space<vmem>>, %arg2: memref<2x2000x64xf32, #tpu.memory_space<vmem>>, %arg3: memref<2x2000x8xf32, #tpu.memory_space<vmem>>, %arg4: memref<128x64xf32, #tpu.memory_space<vmem>>, %arg5: memref<128x64xf32, #tpu.memory_space<vmem>>, %arg6: memref<128x128xf32, #tpu.memory_space<vmem>>, %arg7: memref<1x128xf32, #tpu.memory_space<vmem>>, %arg8: memref<2000x128xf32, #tpu.memory_space<vmem>>) attributes {dimension_semantics = [#tpu.dimension_semantics<arbitrary>], iteration_bounds = array<i64: 5>, scalar_prefetch = 0 : i64, scratch_operands = 0 : i64, tpu.core_type = #tpu.core_type<tc>, window_params = [{transform_indices = @transform_0, window_bounds = array<i64: 2000, 128>}, {transform_indices = @transform_1, window_bounds = array<i64: 2, 2000, 64>}, {transform_indices = @transform_2, window_bounds = array<i64: 2, 2000, 8>}, {pipeline_mode = #tpu.pipeline_mode<synchronous>, transform_indices = @transform_3, window_bounds = array<i64: 128, 64>}, {pipeline_mode = #tpu.pipeline_mode<synchronous>, transform_indices = @transform_4, window_bounds = array<i64: 128, 64>}, {pipeline_mode = #tpu.pipeline_mode<synchronous>, transform_indices = @transform_5, window_bounds = array<i64: 128, 128>}, {pipeline_mode = #tpu.pipeline_mode<synchronous>, transform_indices = @transform_6, window_bounds = array<i64: 1, 128>}, {transform_indices = @transform_7, window_bounds = array<i64: 2000, 128>}]} {
    %get3A = arith.constant 0 : index
    %get3A_0 = arith.constant 0 : index
    %get3A_1 = arith.constant 0 : index
    %get3A_2 = vector.load %arg3[%get3A, %get3A_0, %get3A_1] : memref<2x2000x8xf32, #tpu.memory_space<vmem>>, vector<1x2000x1xf32>
    %get3A_3 = vector.shape_cast %get3A_2 : vector<1x2000x1xf32> to vector<2000x1xf32>
    %get3A_4 = arith.constant 1 : index
    %get3A_5 = arith.constant 0 : index
    %get3A_6 = arith.constant 0 : index
    %get3A_7 = vector.load %arg3[%get3A_4, %get3A_5, %get3A_6] : memref<2x2000x8xf32, #tpu.memory_space<vmem>>, vector<1x2000x1xf32>
    %get3A_8 = vector.shape_cast %get3A_7 : vector<1x2000x1xf32> to vector<2000x1xf32>
    %add3A = arith.addf %get3A_3, %get3A_8 : vector<2000x1xf32>
    %max3A = arith.constant 1.000000e+00 : f32
    %max3A_9 = vector.broadcast %max3A : f32 to vector<2000x1xf32>
    %max3A_10 = arith.maximumf %add3A, %max3A_9 : vector<2000x1xf32>
    %div3A = arith.constant 1.000000e+00 : f32
    %div3A_11 = vector.broadcast %div3A : f32 to vector<2000x1xf32>
    %div3A_12 = arith.divf %div3A_11, %max3A_10 : vector<2000x1xf32>
    %get3A_13 = arith.constant 0 : index
    %get3A_14 = arith.constant 0 : index
    %get3A_15 = arith.constant 0 : index
    %get3A_16 = vector.load %arg2[%get3A_13, %get3A_14, %get3A_15] : memref<2x2000x64xf32, #tpu.memory_space<vmem>>, vector<1x2000x64xf32>
    %get3A_17 = vector.shape_cast %get3A_16 : vector<1x2000x64xf32> to vector<2000x64xf32>
    %mul3A = vector.broadcast %div3A_12 : vector<2000x1xf32> to vector<2000x64xf32>
    %mul3A_18 = arith.mulf %get3A_17, %mul3A : vector<2000x64xf32>
    %get3A_19 = arith.constant 1 : index
    %get3A_20 = arith.constant 0 : index
    %get3A_21 = arith.constant 0 : index
    %get3A_22 = vector.load %arg2[%get3A_19, %get3A_20, %get3A_21] : memref<2x2000x64xf32, #tpu.memory_space<vmem>>, vector<1x2000x64xf32>
    %get3A_23 = vector.shape_cast %get3A_22 : vector<1x2000x64xf32> to vector<2000x64xf32>
    %mul3A_24 = vector.broadcast %div3A_12 : vector<2000x1xf32> to vector<2000x64xf32>
    %mul3A_25 = arith.mulf %get3A_23, %mul3A_24 : vector<2000x64xf32>
    %get3A_26 = arith.constant 0 : index
    %get3A_27 = arith.constant 0 : index
    %get3A_28 = vector.load %arg1[%get3A_26, %get3A_27] : memref<2000x128xf32, #tpu.memory_space<vmem>>, vector<2000x128xf32>
    %get3A_29 = arith.constant 0 : index
    %get3A_30 = arith.constant 0 : index
    %get3A_31 = vector.load %arg6[%get3A_29, %get3A_30] : memref<128x128xf32, #tpu.memory_space<vmem>>, vector<128x128xf32>
    %dot_general3A = arith.constant dense<0.000000e+00> : vector<2000x128xf32>
    %dot_general3A_32 = tpu.matmul %get3A_28, %get3A_31, %dot_general3A {dimension_numbers = #tpu.dot_dimension_numbers<[1], [1], [0], [0], [0, 0, 1, 0], [], []>, transpose_lhs_hint = false} : vector<2000x128xf32>, vector<128x128xf32>, vector<2000x128xf32> -> vector<2000x128xf32>
    %get3A_33 = arith.constant 0 : index
    %get3A_34 = arith.constant 0 : index
    %get3A_35 = vector.load %arg4[%get3A_33, %get3A_34] : memref<128x64xf32, #tpu.memory_space<vmem>>, vector<128x64xf32>
    %dot_general3A_36 = arith.constant dense<0.000000e+00> : vector<2000x128xf32>
    %dot_general3A_37 = tpu.matmul %mul3A_18, %get3A_35, %dot_general3A_36 {dimension_numbers = #tpu.dot_dimension_numbers<[1], [1], [0], [0], [0, 0, 1, 0], [], []>, transpose_lhs_hint = false} : vector<2000x64xf32>, vector<128x64xf32>, vector<2000x128xf32> -> vector<2000x128xf32>
    %add3A_38 = arith.addf %dot_general3A_32, %dot_general3A_37 : vector<2000x128xf32>
    %get3A_39 = arith.constant 0 : index
    %get3A_40 = arith.constant 0 : index
    %get3A_41 = vector.load %arg5[%get3A_39, %get3A_40] : memref<128x64xf32, #tpu.memory_space<vmem>>, vector<128x64xf32>
    %dot_general3A_42 = arith.constant dense<0.000000e+00> : vector<2000x128xf32>
    %dot_general3A_43 = tpu.matmul %mul3A_25, %get3A_41, %dot_general3A_42 {dimension_numbers = #tpu.dot_dimension_numbers<[1], [1], [0], [0], [0, 0, 1, 0], [], []>, transpose_lhs_hint = false} : vector<2000x64xf32>, vector<128x64xf32>, vector<2000x128xf32> -> vector<2000x128xf32>
    %add3A_44 = arith.addf %add3A_38, %dot_general3A_43 : vector<2000x128xf32>
    %get3A_45 = arith.constant 0 : index
    %get3A_46 = arith.constant 0 : index
    %get3A_47 = vector.load %arg7[%get3A_45, %get3A_46] : memref<1x128xf32, #tpu.memory_space<vmem>>, vector<1x128xf32>
    %add3A_48 = vector.broadcast %get3A_47 : vector<1x128xf32> to vector<2000x128xf32>
    %add3A_49 = arith.addf %add3A_44, %add3A_48 : vector<2000x128xf32>
    %swap3A = arith.constant 0 : index
    %swap3A_50 = arith.constant 0 : index
    %swap3A_51 = vector.load %arg8[%swap3A, %swap3A_50] : memref<2000x128xf32, #tpu.memory_space<vmem>>, vector<2000x128xf32>
    tpu.vector_store %arg8[%swap3A, %swap3A_50], %add3A_49 {strides = array<i32>} : memref<2000x128xf32, #tpu.memory_space<vmem>>, vector<2000x128xf32>,
    return
  }
  func.func @transform_0(%arg0: i32) -> (i32, i32) {
    %c0_i32 = arith.constant 0 : i32
    %c0_i32_0 = arith.constant 0 : i32
    return %arg0, %c0_i32 : i32, i32
  }
  func.func @transform_1(%arg0: i32) -> (i32, i32, i32) {
    %c0_i32 = arith.constant 0 : i32
    %c0_i32_0 = arith.constant 0 : i32
    %c0_i32_1 = arith.constant 0 : i32
    return %c0_i32, %arg0, %c0_i32_0 : i32, i32, i32
  }
  func.func @transform_2(%arg0: i32) -> (i32, i32, i32) {
    %c0_i32 = arith.constant 0 : i32
    %c0_i32_0 = arith.constant 0 : i32
    %c0_i32_1 = arith.constant 0 : i32
    return %c0_i32, %arg0, %c0_i32_0 : i32, i32, i32
  }
  func.func @transform_3(%arg0: i32) -> (i32, i32) {
    %c0_i32 = arith.constant 0 : i32
    %c0_i32_0 = arith.constant 0 : i32
    %c0_i32_1 = arith.constant 0 : i32
    return %c0_i32, %c0_i32_0 : i32, i32
  }
  func.func @transform_4(%arg0: i32) -> (i32, i32) {
    %c0_i32 = arith.constant 0 : i32
    %c0_i32_0 = arith.constant 0 : i32
    %c0_i32_1 = arith.constant 0 : i32
    return %c0_i32, %c0_i32_0 : i32, i32
  }
  func.func @transform_5(%arg0: i32) -> (i32, i32) {
    %c0_i32 = arith.constant 0 : i32
    %c0_i32_0 = arith.constant 0 : i32
    %c0_i32_1 = arith.constant 0 : i32
    return %c0_i32, %c0_i32_0 : i32, i32
  }
  func.func @transform_6(%arg0: i32) -> (i32, i32) {
    %c0_i32 = arith.constant 0 : i32
    %c0_i32_0 = arith.constant 0 : i32
    %c0_i32_1 = arith.constant 0 : i32
    return %c0_i32, %c0_i32_0 : i32, i32
  }
  func.func @transform_7(%arg0: i32) -> (i32, i32) {
    %c0_i32 = arith.constant 0 : i32
    %c0_i32_0 = arith.constant 0 : i32
    return %arg0, %c0_i32 : i32, i32
  }
}

</mosaic_0001>

<sc_bundles>
// kernel: kernel.4.cloned.1.call-start
scs
__scs_entry_jumppad:
0x0: {  	(pc) =	sbr.rel $0x88, $3  }
0x1: {  	(tag) =	ssettag $0x0;
	lr =	simm.s32 $0x1  }
0x2: {  	[smem:$0x3F9C] =	sst lr;
	_ =	strace $0xD0000000  }
0x3: {  	_ = 	snop  }
0x4: {  	_ = 	snop  }
0x5: {  	_ = 	snop  }
0x6: {  	_ = 	snop  }
0x7: {  	_ = 	snop  }
__scs_overlays_trampoline_lowered:
0x8: {  	[smem:$0x3FAB] =	sst s0  }
0x9: {  	[smem:$0x3FAC] =	sst s1  }
0xa: {  	[smem:$0x3FAD] =	sst s2  }
0xb: {  	[smem:$0x3FAE] =	sst s3  }
0xc: {  	[smem:$0x3FAF] =	sst s4  }
0xd: {  	[smem:$0x3FB0] =	sst s5  }
0xe: {  	[smem:$0x3FB1] =	sst s6  }
0xf: {  	[smem:$0x3FB2] =	sst s7  }
0x10: {  	[smem:$0x3FB3] =	sst s8  }
0x11: {  	[smem:$0x3FB4] =	sst s9;
	s0 =	simm.s32 @!p0 $0x0  }
0x12: {  	s1 =	sld [smem:$0x3F9A];
	s0 =	simm.s32 @p0 $0x1  }
0x13: {  	[smem:$0x3FB5] =	sst s0;
	s0 =	simm.s32 @!p1 $0x0  }
0x14: {  	s2 =	sld [smem:$0x3F99];
	s0 =	simm.s32 @p1 $0x1  }
0x15: {  	[smem:$0x3FB6] =	sst s0;
	s0 =	simm.s32 @!p2 $0x0  }
0x16: {  	s3 =	sld [smem:$0x3FDB];
	s0 =	simm.s32 @p2 $0x1  }
0x17: {  	s4 =	simm.s32 $0x1BF5;
	[smem:$0x3FB8] =	sst s0  }
0x18: {  	s0 =	sld [smem:$0x3F9B];
	_ =	swait.ge [sflag:s4], $0x0  }
0x19: {  	s7 =	sld [smem:$0x3F9C]  }
0x1a: {  	s8 =	sadd.s32 $0xFFFFE003, lr  }
0x1b: {  	s9 =	sadd.s32 $0xFFFFFEF7, lr;
	s5 =	simm.s32 $0xFFFFFFFF;
	p2 =	slt.u32 s8, $0xFFFFF086  }
0x1c: {  	p1 =	slt.u32 s9, $0xF7A;
	s5 =	simm.s32 @!p2 $0x0  }
0x1d: {  	s5 =	simm.s32 @p1 $0x1;
	p0 =	seq.s32 s7, s2  }
0x1e: {  	s7 =	smul.u32 @!p0 $0xF7A, s2;
	p2 =	seq.s32 @!p0 s5, $0x0  }
0x1f: {  	s9 =	smul.u32 $0xF7A, s1;
	s8 =	simm.s32 @!p0 $0x1BF5;
	p2 =	por !p2, p0  }
0x20: {  	[sflag:s8] =	ssyncset.s32 @!p0 $0xFFFFF086;
	s6 =	sadd.s32 @!p0 s3, s7;
	s7 =	simm.s32 @!p0 $0x108  }
0x21: {  	s3 =	sadd.s32 s3, s9;
	s6 =	sadd.s32 @!p0 $0x88, s6;
	s7 =	simm.s32 @p2 $0x1082  }
0x22: {  	[simem:s7], [sflag:s8] =	dma.local @!p0 [hbm:s6], $0xF7A  }
0x23: {  	s9 =	sor.u32 $0xD0000000, s2;
	s6 =	simm.s32 $0x108;
	_ =	swait.ge @!p0 [sflag:s8], $0x0  }
0x24: {  	s3 =	sadd.s32 $0x88, s3;
	s6 =	simm.s32 @!p1 $0x1082;
	[sflag:s4] =	ssyncset.s32 $0xFFFFF086  }
0x25: {  	[simem:s6], [sflag:s4] =	dma.local [hbm:s3], $0xF7A  }
0x26: {  	[smem:$0x3F9C] =	sst s1;
	(tag) =	ssettag s2;
	_ =	strace s9  }
0x27: {  	s1 =	sld [smem:$0x3FAC]  }
0x28: {  	s2 =	sld [smem:$0x3FAD]  }
0x29: {  	s4 =	sld [smem:$0x3FAF]  }
0x2a: {  	p0 =	seq.s32 s5, $0x0;
	s5 =	sld [smem:$0x3FB0]  }
0x2b: {  	s6 =	sld [smem:$0x3FB1]  }
0x2c: {  	s7 =	sld [smem:$0x3FB2]  }
0x2d: {  	s3 =	simm.s32 $0x108;
	s8 =	sld [smem:$0x3FB3]  }
0x2e: {  	s3 =	simm.s32 @!p0 $0x1082;
	s9 =	sld [smem:$0x3FB4]  }
0x2f: {  	lr =	sadd.s32 s0, s3;
	s0 =	sld [smem:$0x3FAB]  }
0x30: {  	s3 =	sld [smem:$0x3FAE]  }
0x31: {  	[smem:$0x3FB7] =	sst s10  }
0x32: {  	s10 =	sld [smem:$0x3FB5];
	_ =	sdelay $0x3  }
0x33: {  	p0 =	seq.s32 s10, $0x1;
	s10 =	sld [smem:$0x3FB7];
	_ =	sdelay $0x3  }
0x34: {  	[smem:$0x3FB7] =	sst s10  }
0x35: {  	s10 =	sld [smem:$0x3FB6];
	_ =	sdelay $0x3  }
0x36: {  	p1 =	seq.s32 s10, $0x1;
	s10 =	sld [smem:$0x3FB7];
	_ =	sdelay $0x3  }
0x37: {  	[smem:$0x3FB7] =	sst s10  }
0x38: {  	s10 =	sld [smem:$0x3FB8]  }
0x39: {  	_ = 	snop;
	(pc) =	sbr.ind lr, $3  }
0x3a: {  	_ = 	snop  }
0x3b: {  	_ = 	snop  }
0x3c: {  	p2 =	seq.s32 s10, $0x1;
	s10 =	sld [smem:$0x3FB7]  }
0x3d: {  	_ =	shalt  }
0x3e: {  	_ =	shalt  }
0x3f: {  	_ =	shalt  }
0x40: {  	_ =	shalt  }
0x41: {  	_ =	shalt  }
0x42: {  	_ =	shalt  }
0x43: {  	_ =	shalt  }
0x44: {  	_ =	shalt  }
0x45: {  	_ =	shalt  }
0x46: {  	_ =	shalt  }
0x47: {  	_ =	shalt  }
0x48: {  	_ =	shalt  }
0x49: {  	_ =	shalt  }
0x4a: {  	_ =	shalt  }
0x4b: {  	_ =	shalt  }
0x4c: {  	_ =	shalt  }
0x4d: {  	_ =	shalt  }
0x4e: {  	_ =	shalt  }
0x4f: {  	_ =	shalt  }
0x50: {  	_ =	shalt  }
0x51: {  	_ =	shalt  }
0x52: {  	_ =	shalt  }
0x53: {  	_ =	shalt  }
0x54: {  	_ =	shalt  }
0x55: {  	_ =	shalt  }
0x56: {  	_ =	shalt  }
0x57: {  	_ =	shalt  }
0x58: {  	_ =	shalt  }
0x59: {  	_ =	shalt  }
0x5a: {  	_ =	shalt  }
0x5b: {  	_ =	shalt  }
0x5c: {  	_ =	shalt  }
0x5d: {  	_ =	shalt  }
0x5e: {  	_ =	shalt  }
0x5f: {  	_ =	shalt  }
0x60: {  	_ =	shalt  }
0x61: {  	_ =	shalt  }
0x62: {  	_ =	shalt  }
0x63: {  	_ =	shalt  }
0x64: {  	_ =	shalt  }
0x65: {  	_ =	shalt  }
0x66: {  	_ =	shalt  }
0x67: {  	_ =	shalt  }
0x68: {  	_ =	shalt  }
0x69: {  	_ =	shalt  }
0x6a: {  	_ =	shalt  }
0x6b: {  	_ =	shalt  }
0x6c: {  	_ =	shalt  }
0x6d: {  	_ =	shalt  }
0x6e: {  	_ =	shalt  }
0x6f: {  	_ =	shalt  }
0x70: {  	_ =	shalt  }
0x71: {  	_ =	shalt  }
0x72: {  	_ =	shalt  }
0x73: {  	_ =	shalt  }
0x74: {  	_ =	shalt  }
0x75: {  	_ =	shalt  }
0x76: {  	_ =	shalt  }
0x77: {  	_ =	shalt  }
0x78: {  	_ =	shalt  }
0x79: {  	_ =	shalt  }
0x7a: {  	_ =	shalt  }
0x7b: {  	_ =	shalt  }
0x7c: {  	_ =	shalt  }
0x7d: {  	_ =	shalt  }
0x7e: {  	_ =	shalt  }
0x7f: {  	_ =	shalt  }
0x80: {  	_ =	shalt  }
0x81: {  	_ =	shalt  }
0x82: {  	_ =	shalt  }
0x83: {  	_ =	shalt  }
0x84: {  	_ =	shalt  }
0x85: {  	_ =	shalt  }
0x86: {  	_ =	shalt  }
0x87: {  	_ =	shalt  }
.Lfunc_end0:
.L_simem_size_0:
called_computation_lowered:
.L_overlay_start_0:
0x88: {  	s2 =	sld [smem:$0x3FD9]  }
0x89: {  	s3 =	sld [smem:$0x3FFE];
	_ =	sdelay $0x1  }
0x8a: {  	s1 =	srdreg.scid  }
0x8b: {  	s0 =	sand.u32 $0x1, s1  }
0x8c: {  	s17 =	sshll.u32 s0, $0xA;
	s2 =	sadd.s32 s3, s2  }
0x8d: {  	s2 =	sadd.s32 s2, s17  }
0x8e: {  	[smem:$0x3FC3] =	sst s2  }
0x8f: {  	_ = 	snop  }
0x90: {  	s2 =	sld [smem:$0x3FC9]  }
0x91: {  	s18 =	sld [smem:$0x3FD0];
	(tm) =	ssettm $0x1  }
0x92: {  	s4 =	sld [smem:$0x3FFB];
	_ =	sdelay $0x3  }
0x93: {  	_ =	strace s4  }
0x94: {  	s4 =	sld [smem:$0x3FFC];
	_ =	sdelay $0x3  }
0x95: {  	_ =	strace s4  }
0x96: {  	s4 =	sld [smem:$0x3FFD];
	_ =	sdelay $0x3  }
0x97: {  	_ =	strace s4  }
0x98: {  	_ =	strace $0x8FFFFFFF  }
0x99: {  	s19 =	sld [smem:$0x3FDB];
	_ =	sdelay $0x1  }
0x9a: {  	s5 =	simm.s32 $_scs_section_size  }
0x9b: {  	s6 =	simm.s32 $_size__tile_overlayer_lowered;
	s7 =	simm.s32 $_tile_overlayer_lowered  }
0x9c: {  	s22 =	simm.s32 $0x1BFF;
	s21 =	sshll.u32 s7, $0x1;
	s4 =	sadd.s32 s5, s19  }
0x9d: {  	s8 =	simm.s32 $0x0;
	s20 =	sshll.u32 s6, $0x1;
	s6 =	sadd.s32 s21, s4  }
0x9e: {  	[timem:s8], [sflag:s22] =	dma.local [hbm:s6], s20  }
0x9f: {  	_ =	swait.ge [sflag:s22], s20  }
0xa0: {  	s5 =	ssub.s32 $0x0, s20;
	[sflag:s22] =	ssyncset.done $0x0  }
0xa1: {  	[sflag:s22] =	ssyncadd.s32 s5;
	_ =	sdelay $0x1  }
0xa2: {  	s23 =	simm.s32 $0x1B8B  }
0xa3: {  	_ =	swait.ge [sflag:s23], $0x1  }
0xa4: {  	[sflag:s23] =	ssyncset.done $0x0  }
0xa5: {  	s25 =	simm.s32 $0x1B8E;
	s24 =	sld [smem:$0x3FFE];
	[sflag:s23] =	ssyncadd.s32 $0xFFFFFFFF  }
0xa6: {  	s26 =	simm.s32 $execute0_lowered;
	[smem:$0x3FD2] =	sst s25  }
0xa7: {  	s6 =	sshll.u32 s26, $0x1;
	_ =	strace $0x80000046;
	[dreg:$0x1] =	wrdreg $0xFFFFFFFF  }
0xa8: {  	s28 =	simm.s32 $_size_execute0_lowered;
	s4 =	sadd.s32 s4, s6;
	[dreg:$0x0] =	wrdreg $0x0  }
0xa9: {  	s6 =	sshll.u32 s28, $0x1;
	[dreg:$0x2] =	wrdreg s4  }
0xaa: {  	[dreg:$0x3] =	wrdreg s6  }
0xab: {  	[dreg:$0x4] =	wrdreg $0xC0  }
0xac: {  	_ =	task [dreg:s8], $0x5FFFF  }
0xad: {  	[dreg:$0x1] =	wrdreg $0xFFFFFFFF  }
0xae: {  	[dreg:$0x0] =	wrdreg $0x60  }
0xaf: {  	[dreg:$0x2] =	wrdreg s18  }
0xb0: {  	[dreg:$0x3] =	wrdreg s2  }
0xb1: {  	[dreg:$0x4] =	wrdreg s24  }
0xb2: {  	[dreg:$0x5] =	wrdreg $0x120400  }
0xb3: {  	[dreg:$0x6] =	wrdreg $0x1BE400  }
0xb4: {  	[dreg:$0x7] =	wrdreg $0x9  }
0xb5: {  	_ =	task.clear_ibuf [dreg:s8], $0x8FFFF;
	_ =	strace $0x90000046  }
0xb6: {  	s29 =	simm.s32 $0x9;
	_ =	strace $0x80000048  }
0xb7: {  	_ =	swait.ge [sflag:s29], $0x1  }
0xb8: {  	[sflag:s29] =	ssyncadd.s32 $0xFFFFFFFF  }
0xb9: {  	_ =	strace $0x90000048  }
0xba: {  	_ =	sfence  }
0xbb: {  	s30 =	sld [smem:$0x0];
	_ =	sdelay $0x2  }
0xbc: {  	s31 =	sshll.u32 s1, $0xD;
	s1 =	sshrl.u32 s1, $0x2  }
0xbd: {  	s3 =	sand.u32 $0x4000, s31;
	s1 =	sadd.s32 s1, s30  }
0xbe: {  	s0 =	sor.u32 s3, s0;
	s1 =	sshll.u32 s1, $0x11  }
0xbf: {  	s0 =	sor.u32 s1, s0  }
0xc0: {  	s0 =	sadd.s32 $0x8F2B, s0  }
0xc1: {  	[sflag:s0] =	ssyncadd.remote.s32 $0x1  }
0xc2: {  	_ =	sfence.sel $0xFFFF  }
0xc3: {  	[dreg:$0x0] =	wrdreg $0xFFFFFFFF;
	(pc) =	sbr.abs _section_cstart, $3  }
0xc4: {  	[dreg:$0x1] =	wrdreg $0xFFFFFFFF  }
0xc5: {  	_ =	task.clear_ibuf [dreg:s8], $0x2FFFF;
	_ =	strace $0x9FFFFFFF  }
0xc6: {  	(tm) =	ssettm $0x7FFFFFFF  }
0xc7: {  	_ =	shalt  }
tec
execute0_lowered:
.L_overlay_start_1:
0x0: {  	(tag) =	ssettag $0x1  }
0x1: {  	s0 =	rddreg [dreg:$0x0]  }
0x2: {  	s1 =	rddreg [dreg:$0x1]  }
0x3: {  	s2 =	rddreg [dreg:$0x2]  }
0x4: {  	s3 =	rddreg [dreg:$0x3];
	s5 =	srdreg.scid  }
0x5: {  	s12 =	stileid.u32;
	s4 =	rddreg [dreg:$0x4]  }
0x6: {  	s13 =	simm.s32 $0x0;
	s16 =	simm.s32 $0xD;
	s28 =	simm.s32 $0x1  }
0x7: {  	s29 =	simm.s32 $0x7;
	s31 =	simm.s32 $0x8;
	s18 =	simm.s32 $0x3  }
0x8: {  	s5 =	sand.u32 $0x1, s5;
	s6 =	smul.u32 $0x9E00, s12;
	[smem:$0x7FF] =	sst s13  }
0x9: {  	s8 =	smul.u32 $0x13C0, s12;
	s10 =	sadd.s32 $0x2000, s2;
	s20 =	sadd.s32 $0x1C00, s2  }
0xa: {  	s11 =	smul.u32 $0x4E20, s12;
	_ =	strace $0x80000047;
	[dreg:$0x6] =	wrdreg s10  }
0xb: {  	s21 =	sadd.s32 $0x1A00, s2;
	s7 =	smul.u32 $0x9E000, s5;
	[dreg:$0x7] =	wrdreg s20  }
0xc: {  	s24 =	sshll.u32 s12, $0x6;
	s9 =	smul.u32 $0x13C00, s5;
	[dreg:$0x8] =	wrdreg s21  }
0xd: {  	s22 =	ssub.s32 $0x2, s5;
	p0 =	sne.s32 s5, $0x0;
	s20 =	simm.s32 $0x80  }
0xe: {  	s21 =	simm.s32 $0x9C40;
	p1 =	seq.s32 s5, $0x0;
	s23 =	sshrl.u32 s22, $0x1  }
0xf: {  	s11 =	sshrl.u32 s11, $0x3;
	s25 =	sadd.s32 s8, s4;
	s7 =	sadd.s32 s6, s7  }
0x10: {  	s9 =	sadd.s32 s8, s9;
	s10 =	ssub.s32 s22, s23;
	s6 =	sadd.s32 s6, s3  }
0x11: {  	s11 =	sadd.s32 s0, s11;
	s8 =	sshrl.u32 s25, $0x3;
	s22 =	simm.s32 $0xBC40  }
0x12: {  	s0 =	simm.s32 $0x5;
	s23 =	simm.s32 $0x6;
	s25 =	simm.s32 $0x4  }
0x13: {  	s7 =	sshrl.u32 s7, $0x3;
	s9 =	sshrl.u32 s9, $0x3;
	[dreg:$0x9] =	wrdreg s11  }
0x14: {  	s26 =	sadd.s32 $0x9C40, s11;
	s30 =	smax.u32 s10, $0x1;
	[dreg:$0xe] =	wrdreg s8  }
0x15: {  	s10 =	simm.s32 $0x4E20;
	s7 =	sadd.s32 s7, s2;
	[dreg:$0xa] =	wrdreg s26  }
0x16: {  	s2 =	sadd.s32 s9, s2;
	[dreg:$0xd] =	wrdreg s30;
	s7 =	sadd.s32 $0x3400, s7  }
0x17: {  	s9 =	sor.u32 $0x1C0D, s24;
	s2 =	sadd.s32 $0x2AC00, s2;
	[dreg:$0xb] =	wrdreg s7  }
0x18: {  	s24 =	simm.s32 $0xDC40;
	s26 =	simm.s32 $0xFC40;
	[dreg:$0xc] =	wrdreg s2  }
0x19: {  	v0 =	vmov s5;
	s7 =	sshrl.u32 s6, $0x3;
	s2 =	simm.s32 $0x2;
	s6 =	simm.s32 $0x0  }
.LBB2_1:
0x1a: {  	s5 =	rddreg [dreg:$0x6]  }
0x1b: {  	[spmem:s7], [sflag:s9] =	dma.local [hbm:s5], $0x13C0  }
0x1c: {  	_ =	swait.ge [sflag:s16], $0x13C0  }
0x1d: {  	[sflag:s16] =	ssyncset.done $0x0  }
0x1e: {  	s12 =	rddreg [dreg:$0x7];
	[sflag:s16] =	ssyncadd.s32 $0xFFFFEC40  }
0x1f: {  	[spmem:s8], [sflag:s9] =	dma.local [hbm:s12], $0x278  }
0x20: {  	_ =	swait.ge [sflag:s16], $0x278  }
0x21: {  	[sflag:s16] =	ssyncset.done $0x0  }
0x22: {  	s15 =	simm.s32 $0x11C40;
	s14 =	rddreg [dreg:$0x8];
	[sflag:s16] =	ssyncadd.s32 $0xFFFFFD88  }
0x23: {  	[tilespmem:s15], [sflag:$0xD] =	stream.linear.gather [hbm4b:s14+s13], $0x400, $0x38;
	[tilespmem:$0x1D200] =	vst v63  }
0x24: {  	_ =	swait.ge [sflag:s16], $0x400  }
0x25: {  	[sflag:s16] =	ssyncset.done $0x0  }
0x26: {  	s19 =	rddreg [dreg:$0x9];
	[sflag:s16] =	ssyncadd.s32 $0xFFFFFC00  }
0x27: {  	[tilespmem:s13], [sflag:$0xD] =	stream.linear.gather [hbm4b:s19+s13], $0x4E20, $0x38;
	[tilespmem:$0x1D200] =	vst v63  }
0x28: {  	_ =	swait.ge [sflag:s16], $0x4E20  }
0x29: {  	[sflag:s16] =	ssyncset.done $0x0  }
0x2a: {  	s30 =	rddreg [dreg:$0xa];
	[sflag:s16] =	ssyncadd.s32 $0xFFFFB1E0  }
0x2b: {  	[tilespmem:s10], [sflag:$0xD] =	stream.linear.gather [hbm4b:s30+s13], $0x4E20, $0x38;
	[tilespmem:$0x1D200] =	vst v63  }
0x2c: {  	_ =	swait.ge [sflag:s16], $0x4E20  }
0x2d: {  	s17 =	smov.u32 s7;
	[sflag:s16] =	ssyncset.done $0x0  }
0x2e: {  	s5 =	simm.s32 $0x0;
	s7 =	simm.s32 $0x40;
	[sflag:s16] =	ssyncadd.s32 $0xFFFFB1E0  }
.LBB2_2:
0x2f: {  	p2 =	sne.s32 s7, $0x13840;
	v1 =	vld [tilespmem:s5+$0x0];
	_ =	sdelay $0x2  }
.Ltmp0:
0x30: {  	(pc) =	sbr.rel @p2 .LBB2_2-.Ltmp0, $4  }
0x31: {  	_ = 	snop  }
0x32: {  	v1 =	vshll.u32 v1, $0x1  }
0x33: {  	v1 =	vor.u32 v0, v1  }
0x34: {  	[tilespmem:s5+$0x0] =	vst v1;
	s5 =	sshra.s32 s7, $0x2;
	s7 =	sadd.s32 $0x40, s7  }
0x35: {  	v1 =	vld [tilespmem:s5+$0x0];
	_ =	sdelay $0x4  }
0x36: {  	v1 =	vshll.u32 v1, $0x1  }
0x37: {  	v1 =	vor.u32 v0, v1  }
0x38: {  	[tilespmem:s5+$0x0] =	vst v1  }
0x39: {  	[bflag:$0x0] =	sbarrier.arrive $0xFFFF  }
0x3a: {  	[tilespmem:s21], [sflag:$0x1] =	stream.indirect.gather [hbm4b:s1+s20], $0x40, s13, s20, $0xb8;
	[tilespmem:$0x1D200] =	vst v63  }
0x3b: {  	_ = 	snop  }
0x3c: {  	[tilespmem:s22], [sflag:$0x2] =	stream.indirect.gather [hbm4b:s1+s20], $0x40, s20, s20, $0xb8;
	[tilespmem:$0x1D200] =	vst v63  }
0x3d: {  	s15 =	simm.s32 $0x100  }
0x3e: {  	[tilespmem:s24], [sflag:$0x3] =	stream.indirect.gather [hbm4b:s1+s20], $0x40, s15, s20, $0xb8;
	[tilespmem:$0x1D200] =	vst v63  }
0x3f: {  	s19 =	simm.s32 $0x180  }
0x40: {  	[tilespmem:s26], [sflag:$0x4] =	stream.indirect.gather [hbm4b:s1+s20], $0x40, s19, s20, $0xb8;
	[tilespmem:$0x1D200] =	vst v63  }
0x41: {  	_ =	swait.ge [sflag:s28], $0x2000  }
0x42: {  	[sflag:s28] =	ssyncset.done $0x0  }
0x43: {  	s5 =	simm.s32 @p0 $0x2;
	[sflag:s28] =	ssyncadd.s32 $0xFFFFE000  }
0x44: {  	[spmem:s3] =	stream.indirect.scatter.add.f32 [tilespmem:s21], [sflag:$0x5], $0x40, s10, s20, $0xb8;
	[tilespmem:$0x1D200] =	vst v63  }
0x45: {  	_ =	swait.ge @p0 [sflag:s5], $0x2000  }
0x46: {  	s7 =	simm.s32 @p0 $0x4EA0;
	[sflag:s5] =	ssyncset.done @p0 $0x0  }
0x47: {  	s8 =	simm.s32 @p0 $0xBC40;
	[sflag:s5] =	ssyncadd.s32 @p0 $0xFFFFE000;
	s5 =	simm.s32 @p0 $0x80  }
0x48: {  	[spmem:s3] =	stream.indirect.scatter.add.f32 @p0 [tilespmem:s8], [sflag:$0x6], $0x40, s7, s5, $0xb8;
	[tilespmem:$0x1D200] =	vst v63  }
0x49: {  	s10 =	simm.s32 @p0 $0x11C40  }
0x4a: {  	[spmem:s4] =	stream.indirect.scatter.add.f32 @p0 [tilespmem:s10], [sflag:$0xA], $0x8, s7, s5, $0xb8;
	[tilespmem:$0x1D200] =	vst v63  }
0x4b: {  	s7 =	simm.s32 @p0 $0x5  }
0x4c: {  	_ =	swait.ge @p0 [sflag:s7], $0x2000  }
0x4d: {  	[sflag:s7] =	ssyncset.done @p0 $0x0  }
0x4e: {  	s11 =	simm.s32 @p0 $0x9C40;
	[sflag:s7] =	ssyncadd.s32 @p0 $0xFFFFE000;
	s7 =	simm.s32 @p0 $0x200  }
0x4f: {  	[tilespmem:s11], [sflag:$0x1] =	stream.indirect.gather @p0 [hbm4b:s1+s5], $0x40, s7, s5, $0xb8;
	[tilespmem:$0x1D200] =	vst v63  }
0x50: {  	s7 =	simm.s32 @p0 $0x3  }
0x51: {  	_ =	swait.ge @p0 [sflag:s7], $0x2000  }
0x52: {  	[sflag:s7] =	ssyncset.done @p0 $0x0  }
0x53: {  	s11 =	simm.s32 @p0 $0xDC40;
	[sflag:s7] =	ssyncadd.s32 @p0 $0xFFFFE000;
	s7 =	simm.s32 @p0 $0x4F20  }
0x54: {  	[spmem:s3] =	stream.indirect.scatter.add.f32 @p0 [tilespmem:s11], [sflag:$0x7], $0x40, s7, s5, $0xb8;
	[tilespmem:$0x1D200] =	vst v63  }
0x55: {  	s7 =	simm.s32 @p0 $0x6  }
0x56: {  	_ =	swait.ge @p0 [sflag:s7], $0x2000  }
0x57: {  	[sflag:s7] =	ssyncset.done @p0 $0x0  }
0x58: {  	[sflag:s7] =	ssyncadd.s32 @p0 $0xFFFFE000;
	s7 =	simm.s32 @p0 $0x280  }
0x59: {  	[tilespmem:s8], [sflag:$0x2] =	stream.indirect.gather @p0 [hbm4b:s1+s5], $0x40, s7, s5, $0xb8;
	[tilespmem:$0x1D200] =	vst v63  }
0x5a: {  	s7 =	simm.s32 @p0 $0x4  }
0x5b: {  	_ =	swait.ge @p0 [sflag:s7], $0x2000  }
0x5c: {  	[sflag:s7] =	ssyncset.done @p0 $0x0  }
0x5d: {  	s8 =	simm.s32 @p0 $0xFC40;
	[sflag:s7] =	ssyncadd.s32 @p0 $0xFFFFE000;
	s7 =	simm.s32 @p0 $0x4FA0  }
0x5e: {  	[spmem:s3] =	stream.indirect.scatter.add.f32 @p0 [tilespmem:s8], [sflag:$0x8], $0x40, s7, s5, $0xb8;
	[tilespmem:$0x1D200] =	vst v63  }
0x5f: {  	_ = 	snop  }
0x60: {  	[spmem:s4] =	stream.indirect.scatter.add.f32 @p0 [tilespmem:s10], [sflag:$0xC], $0x8, s7, s5, $0xb8;
	[tilespmem:$0x1D200] =	vst v63  }
0x61: {  	s19 =	simm.s32 @!p0 $0x11C40;
	s11 =	simm.s32 @!p0 $0x80;
	s5 =	simm.s32 @!p0 $0x4E20  }
0x62: {  	[spmem:s4] =	stream.indirect.scatter.add.f32 @!p0 [tilespmem:s19], [sflag:$0x9], $0x8, s5, s11, $0xb8;
	[tilespmem:$0x1D200] =	vst v63  }
0x63: {  	s5 =	simm.s32 @!p0 $0x2  }
0x64: {  	_ =	swait.ge @!p0 [sflag:s5], $0x2000  }
0x65: {  	[sflag:s5] =	ssyncset.done @!p0 $0x0  }
0x66: {  	s7 =	simm.s32 @!p0 $0xBC40;
	[sflag:s5] =	ssyncadd.s32 @!p0 $0xFFFFE000;
	s5 =	simm.s32 @!p0 $0x4EA0  }
0x67: {  	[spmem:s3] =	stream.indirect.scatter.add.f32 @!p0 [tilespmem:s7], [sflag:$0x6], $0x40, s5, s11, $0xb8;
	[tilespmem:$0x1D200] =	vst v63  }
0x68: {  	s5 =	simm.s32 @!p0 $0x5  }
0x69: {  	_ =	swait.ge @!p0 [sflag:s5], $0x2000  }
0x6a: {  	[sflag:s5] =	ssyncset.done @!p0 $0x0  }
0x6b: {  	s8 =	simm.s32 @!p0 $0x9C40;
	[sflag:s5] =	ssyncadd.s32 @!p0 $0xFFFFE000;
	s5 =	simm.s32 @!p0 $0x200  }
0x6c: {  	[tilespmem:s8], [sflag:$0x1] =	stream.indirect.gather @!p0 [hbm4b:s1+s11], $0x40, s5, s11, $0xb8;
	[tilespmem:$0x1D200] =	vst v63  }
0x6d: {  	s5 =	simm.s32 @!p0 $0x3  }
0x6e: {  	_ =	swait.ge @!p0 [sflag:s5], $0x2000  }
0x6f: {  	[sflag:s5] =	ssyncset.done @!p0 $0x0  }
0x70: {  	s8 =	simm.s32 @!p0 $0xDC40;
	[sflag:s5] =	ssyncadd.s32 @!p0 $0xFFFFE000;
	s5 =	simm.s32 @!p0 $0x4F20  }
0x71: {  	[spmem:s3] =	stream.indirect.scatter.add.f32 @!p0 [tilespmem:s8], [sflag:$0x7], $0x40, s5, s11, $0xb8;
	[tilespmem:$0x1D200] =	vst v63  }
0x72: {  	_ = 	snop  }
0x73: {  	[spmem:s4] =	stream.indirect.scatter.add.f32 @!p0 [tilespmem:s19], [sflag:$0xB], $0x8, s5, s11, $0xb8;
	[tilespmem:$0x1D200] =	vst v63  }
0x74: {  	s5 =	simm.s32 @!p0 $0x6  }
0x75: {  	_ =	swait.ge @!p0 [sflag:s5], $0x2000  }
0x76: {  	[sflag:s5] =	ssyncset.done @!p0 $0x0  }
0x77: {  	[sflag:s5] =	ssyncadd.s32 @!p0 $0xFFFFE000;
	s5 =	simm.s32 @!p0 $0x280  }
0x78: {  	[tilespmem:s7], [sflag:$0x2] =	stream.indirect.gather @!p0 [hbm4b:s1+s11], $0x40, s5, s11, $0xb8;
	[tilespmem:$0x1D200] =	vst v63  }
0x79: {  	s5 =	simm.s32 @!p0 $0x4  }
0x7a: {  	_ =	swait.ge @!p0 [sflag:s5], $0x2000  }
0x7b: {  	[sflag:s5] =	ssyncset.done @!p0 $0x0  }
0x7c: {  	s7 =	simm.s32 @!p0 $0xFC40;
	[sflag:s5] =	ssyncadd.s32 @!p0 $0xFFFFE000;
	s5 =	simm.s32 @!p0 $0x4FA0  }
0x7d: {  	[spmem:s3] =	stream.indirect.scatter.add.f32 @!p0 [tilespmem:s7], [sflag:$0x8], $0x40, s5, s11, $0xb8;
	[tilespmem:$0x1D200] =	vst v63  }
0x7e: {  	_ =	swait.ge [sflag:s29], $0x2000  }
0x7f: {  	[sflag:s29] =	ssyncset.done $0x0  }
0x80: {  	s7 =	simm.s32 $0x300;
	[sflag:s29] =	ssyncadd.s32 $0xFFFFE000  }
0x81: {  	[tilespmem:s24], [sflag:$0x3] =	stream.indirect.gather [hbm4b:s1+s20], $0x40, s7, s20, $0xb8;
	[tilespmem:$0x1D200] =	vst v63  }
0x82: {  	_ =	swait.ge [sflag:s28], $0x2000  }
0x83: {  	[sflag:s28] =	ssyncset.done $0x0  }
0x84: {  	s5 =	simm.s32 $0x5020;
	s7 =	simm.s32 @!p0 $0x9;
	[sflag:s28] =	ssyncadd.s32 $0xFFFFE000  }
0x85: {  	[spmem:s3] =	stream.indirect.scatter.add.f32 [tilespmem:s21], [sflag:$0x5], $0x40, s5, s20, $0xb8;
	[tilespmem:$0x1D200] =	vst v63  }
0x86: {  	_ =	swait.ge @!p0 [sflag:s7], $0x400  }
0x87: {  	[sflag:s7] =	ssyncset.done @!p0 $0x0  }
0x88: {  	[sflag:s7] =	ssyncadd.s32 @!p0 $0xFFFFFC00  }
0x89: {  	[spmem:s4] =	stream.indirect.scatter.add.f32 @!p0 [tilespmem:s19], [sflag:$0x9], $0x8, s5, s11, $0xb8;
	[tilespmem:$0x1D200] =	vst v63  }
0x8a: {  	_ =	swait.ge [sflag:s31], $0x2000  }
0x8b: {  	[sflag:s31] =	ssyncset.done $0x0  }
0x8c: {  	s8 =	simm.s32 $0x380;
	[sflag:s31] =	ssyncadd.s32 $0xFFFFE000  }
0x8d: {  	[tilespmem:s26], [sflag:$0x4] =	stream.indirect.gather [hbm4b:s1+s20], $0x40, s8, s20, $0xb8;
	[tilespmem:$0x1D200] =	vst v63  }
0x8e: {  	_ =	swait.ge [sflag:s2], $0x2000  }
0x8f: {  	[sflag:s2] =	ssyncset.done $0x0  }
0x90: {  	s12 =	simm.s32 @!p1 $0xA;
	s5 =	simm.s32 $0x50A0;
	[sflag:s2] =	ssyncadd.s32 $0xFFFFE000  }
0x91: {  	[spmem:s3] =	stream.indirect.scatter.add.f32 [tilespmem:s22], [sflag:$0x6], $0x40, s5, s20, $0xb8;
	[tilespmem:$0x1D200] =	vst v63  }
0x92: {  	_ =	swait.ge @!p1 [sflag:s12], $0x400  }
0x93: {  	[sflag:s12] =	ssyncset.done @!p1 $0x0  }
0x94: {  	s14 =	simm.s32 @!p1 $0x11C40;
	s13 =	simm.s32 @!p1 $0x80;
	[sflag:s12] =	ssyncadd.s32 @!p1 $0xFFFFFC00  }
0x95: {  	[spmem:s4] =	stream.indirect.scatter.add.f32 @!p1 [tilespmem:s14], [sflag:$0xA], $0x8, s5, s13, $0xb8;
	[tilespmem:$0x1D200] =	vst v63  }
0x96: {  	_ =	swait.ge [sflag:s0], $0x2000  }
0x97: {  	[sflag:s0] =	ssyncset.done $0x0  }
0x98: {  	s10 =	simm.s32 $0x400;
	[sflag:s0] =	ssyncadd.s32 $0xFFFFE000  }
0x99: {  	[tilespmem:s21], [sflag:$0x1] =	stream.indirect.gather [hbm4b:s1+s20], $0x40, s10, s20, $0xb8;
	[tilespmem:$0x1D200] =	vst v63  }
0x9a: {  	_ =	swait.ge [sflag:s18], $0x2000  }
0x9b: {  	[sflag:s18] =	ssyncset.done $0x0  }
0x9c: {  	s8 =	simm.s32 @!p0 $0xB;
	s5 =	simm.s32 $0x5120;
	[sflag:s18] =	ssyncadd.s32 $0xFFFFE000  }
0x9d: {  	[spmem:s3] =	stream.indirect.scatter.add.f32 [tilespmem:s24], [sflag:$0x7], $0x40, s5, s20, $0xb8;
	[tilespmem:$0x1D200] =	vst v63  }
0x9e: {  	_ =	swait.ge @!p0 [sflag:s8], $0x400  }
0x9f: {  	[sflag:s8] =	ssyncset.done @!p0 $0x0  }
0xa0: {  	[sflag:s8] =	ssyncadd.s32 @!p0 $0xFFFFFC00  }
0xa1: {  	[spmem:s4] =	stream.indirect.scatter.add.f32 @!p0 [tilespmem:s19], [sflag:$0xB], $0x8, s5, s11, $0xb8;
	[tilespmem:$0x1D200] =	vst v63  }
0xa2: {  	_ =	swait.ge [sflag:s23], $0x2000  }
0xa3: {  	[sflag:s23] =	ssyncset.done $0x0  }
0xa4: {  	s15 =	simm.s32 $0x480;
	[sflag:s23] =	ssyncadd.s32 $0xFFFFE000  }
0xa5: {  	[tilespmem:s22], [sflag:$0x2] =	stream.indirect.gather [hbm4b:s1+s20], $0x40, s15, s20, $0xb8;
	[tilespmem:$0x1D200] =	vst v63  }
0xa6: {  	_ =	swait.ge [sflag:s25], $0x2000  }
0xa7: {  	[sflag:s25] =	ssyncset.done $0x0  }
0xa8: {  	s10 =	simm.s32 @!p1 $0xC;
	s5 =	simm.s32 $0x51A0;
	[sflag:s25] =	ssyncadd.s32 $0xFFFFE000  }
0xa9: {  	[spmem:s3] =	stream.indirect.scatter.add.f32 [tilespmem:s26], [sflag:$0x8], $0x40, s5, s20, $0xb8;
	[tilespmem:$0x1D200] =	vst v63  }
0xaa: {  	_ =	swait.ge @!p1 [sflag:s10], $0x400  }
0xab: {  	[sflag:s10] =	ssyncset.done @!p1 $0x0  }
0xac: {  	[sflag:s10] =	ssyncadd.s32 @!p1 $0xFFFFFC00  }
0xad: {  	[spmem:s4] =	stream.indirect.scatter.add.f32 @!p1 [tilespmem:s14], [sflag:$0xC], $0x8, s5, s13, $0xb8;
	[tilespmem:$0x1D200] =	vst v63  }
0xae: {  	_ =	swait.ge [sflag:s29], $0x2000  }
0xaf: {  	[sflag:s29] =	ssyncset.done $0x0  }
0xb0: {  	s30 =	simm.s32 $0x800;
	s5 =	simm.s32 $0x500;
	[sflag:s29] =	ssyncadd.s32 $0xFFFFE000  }
.LBB2_4:
0xb1: {  	[tilespmem:s24], [sflag:$0x3] =	stream.indirect.gather [hbm4b:s1+s20], $0x40, s5, s20, $0xb8;
	[tilespmem:$0x1D200] =	vst v63  }
0xb2: {  	s5 =	smov.u32 s30;
	s30 =	sadd.s32 $0x800, s30;
	_ =	swait.ge [sflag:s28], $0x2000  }
0xb3: {  	s5 =	sshra.s32 s5, $0x2;
	p2 =	sne.s32 s30, $0x12800;
	[sflag:s28] =	ssyncset.done $0x0  }
0xb4: {  	s15 =	sadd.s32 $0x5020, s5;
	[sflag:s28] =	ssyncadd.s32 $0xFFFFE000  }
0xb5: {  	[spmem:s3] =	stream.indirect.scatter.add.f32 [tilespmem:s21], [sflag:$0x5], $0x40, s15, s20, $0xb8;
	[tilespmem:$0x1D200] =	vst v63  }
0xb6: {  	_ =	swait.ge @!p0 [sflag:s7], $0x400  }
0xb7: {  	[sflag:s7] =	ssyncset.done @!p0 $0x0  }
0xb8: {  	[sflag:s7] =	ssyncadd.s32 @!p0 $0xFFFFFC00  }
0xb9: {  	[spmem:s4] =	stream.indirect.scatter.add.f32 @!p0 [tilespmem:s19], [sflag:$0x9], $0x8, s15, s11, $0xb8;
	[tilespmem:$0x1D200] =	vst v63  }
0xba: {  	_ =	swait.ge [sflag:s31], $0x2000  }
0xbb: {  	[sflag:s31] =	ssyncset.done $0x0  }
0xbc: {  	s15 =	sadd.s32 $0x380, s5;
	[sflag:s31] =	ssyncadd.s32 $0xFFFFE000  }
0xbd: {  	[tilespmem:s26], [sflag:$0x4] =	stream.indirect.gather [hbm4b:s1+s20], $0x40, s15, s20, $0xb8;
	[tilespmem:$0x1D200] =	vst v63  }
0xbe: {  	_ =	swait.ge [sflag:s2], $0x2000  }
0xbf: {  	[sflag:s2] =	ssyncset.done $0x0  }
0xc0: {  	s15 =	sadd.s32 $0x50A0, s5;
	[sflag:s2] =	ssyncadd.s32 $0xFFFFE000  }
0xc1: {  	[spmem:s3] =	stream.indirect.scatter.add.f32 [tilespmem:s22], [sflag:$0x6], $0x40, s15, s20, $0xb8;
	[tilespmem:$0x1D200] =	vst v63  }
0xc2: {  	_ =	swait.ge @!p1 [sflag:s12], $0x400  }
0xc3: {  	[sflag:s12] =	ssyncset.done @!p1 $0x0  }
0xc4: {  	[sflag:s12] =	ssyncadd.s32 @!p1 $0xFFFFFC00  }
0xc5: {  	[spmem:s4] =	stream.indirect.scatter.add.f32 @!p1 [tilespmem:s14], [sflag:$0xA], $0x8, s15, s13, $0xb8;
	[tilespmem:$0x1D200] =	vst v63  }
0xc6: {  	_ =	swait.ge [sflag:s0], $0x2000  }
0xc7: {  	[sflag:s0] =	ssyncset.done $0x0  }
0xc8: {  	s15 =	sadd.s32 $0x400, s5;
	[sflag:s0] =	ssyncadd.s32 $0xFFFFE000  }
0xc9: {  	[tilespmem:s21], [sflag:$0x1] =	stream.indirect.gather [hbm4b:s1+s20], $0x40, s15, s20, $0xb8;
	[tilespmem:$0x1D200] =	vst v63  }
0xca: {  	_ =	swait.ge [sflag:s18], $0x2000  }
0xcb: {  	[sflag:s18] =	ssyncset.done $0x0  }
0xcc: {  	s15 =	sadd.s32 $0x5120, s5;
	[sflag:s18] =	ssyncadd.s32 $0xFFFFE000  }
0xcd: {  	[spmem:s3] =	stream.indirect.scatter.add.f32 [tilespmem:s24], [sflag:$0x7], $0x40, s15, s20, $0xb8;
	[tilespmem:$0x1D200] =	vst v63  }
0xce: {  	_ =	swait.ge @!p0 [sflag:s8], $0x400  }
0xcf: {  	[sflag:s8] =	ssyncset.done @!p0 $0x0  }
0xd0: {  	[sflag:s8] =	ssyncadd.s32 @!p0 $0xFFFFFC00  }
0xd1: {  	[spmem:s4] =	stream.indirect.scatter.add.f32 @!p0 [tilespmem:s19], [sflag:$0xB], $0x8, s15, s11, $0xb8;
	[tilespmem:$0x1D200] =	vst v63  }
0xd2: {  	_ =	swait.ge [sflag:s23], $0x2000  }
0xd3: {  	[sflag:s23] =	ssyncset.done $0x0  }
0xd4: {  	s15 =	sadd.s32 $0x480, s5;
	[sflag:s23] =	ssyncadd.s32 $0xFFFFE000  }
0xd5: {  	[tilespmem:s22], [sflag:$0x2] =	stream.indirect.gather [hbm4b:s1+s20], $0x40, s15, s20, $0xb8;
	[tilespmem:$0x1D200] =	vst v63  }
0xd6: {  	_ =	swait.ge [sflag:s25], $0x2000  }
0xd7: {  	[sflag:s25] =	ssyncset.done $0x0  }
0xd8: {  	s15 =	sadd.s32 $0x51A0, s5;
	[sflag:s25] =	ssyncadd.s32 $0xFFFFE000  }
0xd9: {  	[spmem:s3] =	stream.indirect.scatter.add.f32 [tilespmem:s26], [sflag:$0x8], $0x40, s15, s20, $0xb8;
	[tilespmem:$0x1D200] =	vst v63  }
0xda: {  	_ =	swait.ge @!p1 [sflag:s10], $0x400  }
0xdb: {  	[sflag:s10] =	ssyncset.done @!p1 $0x0  }
.Ltmp1:
0xdc: {  	[sflag:s10] =	ssyncadd.s32 @!p1 $0xFFFFFC00;
	(pc) =	sbr.rel @p2 .LBB2_4-.Ltmp1, $4  }
0xdd: {  	[spmem:s4] =	stream.indirect.scatter.add.f32 @!p1 [tilespmem:s14], [sflag:$0xC], $0x8, s15, s13, $0xb8;
	[tilespmem:$0x1D200] =	vst v63  }
0xde: {  	_ =	swait.ge [sflag:s29], $0x2000  }
0xdf: {  	[sflag:s29] =	ssyncset.done $0x0  }
0xe0: {  	s5 =	sadd.s32 $0x500, s5;
	[sflag:s29] =	ssyncadd.s32 $0xFFFFE000  }
0xe1: {  	[tilespmem:s24], [sflag:$0x3] =	stream.indirect.gather [hbm4b:s1+s20], $0x40, s5, s20, $0xb8;
	[tilespmem:$0x1D200] =	vst v63  }
0xe2: {  	_ =	swait.ge [sflag:s28], $0x2000  }
0xe3: {  	[sflag:s28] =	ssyncset.done $0x0  }
0xe4: {  	s11 =	simm.s32 $0x9A20;
	s5 =	simm.s32 @p0 $0x8;
	[sflag:s28] =	ssyncadd.s32 $0xFFFFE000  }
0xe5: {  	[spmem:s3] =	stream.indirect.scatter.add.f32 [tilespmem:s21], [sflag:$0x5], $0x40, s11, s20, $0xb8;
	[tilespmem:$0x1D200] =	vst v63  }
0xe6: {  	_ =	swait.ge @p0 [sflag:s5], $0x2000  }
0xe7: {  	s10 =	simm.s32 @p0 $0x4D80;
	[sflag:s5] =	ssyncset.done @p0 $0x0  }
0xe8: {  	s11 =	simm.s32 @p0 $0xFC40;
	[sflag:s5] =	ssyncadd.s32 @p0 $0xFFFFE000;
	s5 =	simm.s32 @p0 $0x80  }
0xe9: {  	[tilespmem:s11], [sflag:$0x4] =	stream.indirect.gather @p0 [hbm4b:s1+s5], $0x40, s10, s5, $0xb8;
	[tilespmem:$0x1D200] =	vst v63  }
0xea: {  	s10 =	simm.s32 @p0 $0x2  }
0xeb: {  	_ =	swait.ge @p0 [sflag:s10], $0x2000  }
0xec: {  	[sflag:s10] =	ssyncset.done @p0 $0x0  }
0xed: {  	s12 =	simm.s32 @p0 $0xBC40;
	[sflag:s10] =	ssyncadd.s32 @p0 $0xFFFFE000;
	s10 =	simm.s32 @p0 $0x9AA0  }
0xee: {  	[spmem:s3] =	stream.indirect.scatter.add.f32 @p0 [tilespmem:s12], [sflag:$0x6], $0x40, s10, s5, $0xb8;
	[tilespmem:$0x1D200] =	vst v63  }
0xef: {  	s12 =	simm.s32 @p0 $0xA  }
0xf0: {  	_ =	swait.ge @p0 [sflag:s12], $0x400  }
0xf1: {  	[sflag:s12] =	ssyncset.done @p0 $0x0  }
0xf2: {  	[sflag:s12] =	ssyncadd.s32 @p0 $0xFFFFFC00;
	s12 =	simm.s32 @p0 $0x11C40  }
0xf3: {  	[spmem:s4] =	stream.indirect.scatter.add.f32 @p0 [tilespmem:s12], [sflag:$0xA], $0x8, s10, s5, $0xb8;
	[tilespmem:$0x1D200] =	vst v63  }
0xf4: {  	s10 =	simm.s32 @p0 $0x5  }
0xf5: {  	_ =	swait.ge @p0 [sflag:s10], $0x2000  }
0xf6: {  	[sflag:s10] =	ssyncset.done @p0 $0x0  }
0xf7: {  	[sflag:s10] =	ssyncadd.s32 @p0 $0xFFFFE000;
	s10 =	simm.s32 @p0 $0x3  }
0xf8: {  	_ =	swait.ge @p0 [sflag:s10], $0x2000  }
0xf9: {  	[sflag:s10] =	ssyncset.done @p0 $0x0  }
0xfa: {  	s13 =	simm.s32 @p0 $0xDC40;
	[sflag:s10] =	ssyncadd.s32 @p0 $0xFFFFE000;
	s10 =	simm.s32 @p0 $0x9B20  }
0xfb: {  	[spmem:s3] =	stream.indirect.scatter.add.f32 @p0 [tilespmem:s13], [sflag:$0x7], $0x40, s10, s5, $0xb8;
	[tilespmem:$0x1D200] =	vst v63  }
0xfc: {  	s10 =	simm.s32 @p0 $0x6  }
0xfd: {  	_ =	swait.ge @p0 [sflag:s10], $0x2000  }
0xfe: {  	[sflag:s10] =	ssyncset.done @p0 $0x0  }
0xff: {  	[sflag:s10] =	ssyncadd.s32 @p0 $0xFFFFE000;
	s10 =	simm.s32 @p0 $0x4  }
0x100: {  	_ =	swait.ge @p0 [sflag:s10], $0x2000  }
0x101: {  	[sflag:s10] =	ssyncset.done @p0 $0x0  }
0x102: {  	[sflag:s10] =	ssyncadd.s32 @p0 $0xFFFFE000;
	s10 =	simm.s32 @p0 $0x9BA0  }
0x103: {  	[spmem:s3] =	stream.indirect.scatter.add.f32 @p0 [tilespmem:s11], [sflag:$0x8], $0x40, s10, s5, $0xb8;
	[tilespmem:$0x1D200] =	vst v63  }
0x104: {  	s11 =	simm.s32 @p0 $0xC  }
0x105: {  	_ =	swait.ge @p0 [sflag:s11], $0x400  }
0x106: {  	[sflag:s11] =	ssyncset.done @p0 $0x0  }
0x107: {  	[sflag:s11] =	ssyncadd.s32 @p0 $0xFFFFFC00  }
0x108: {  	[spmem:s4] =	stream.indirect.scatter.add.f32 @p0 [tilespmem:s12], [sflag:$0xC], $0x8, s10, s5, $0xb8;
	[tilespmem:$0x1D200] =	vst v63  }
0x109: {  	_ =	swait.ge @!p0 [sflag:s7], $0x400  }
0x10a: {  	s11 =	simm.s32 @!p0 $0x9A20;
	[sflag:s7] =	ssyncset.done @!p0 $0x0  }
0x10b: {  	s10 =	simm.s32 @!p0 $0x80;
	s5 =	simm.s32 @!p0 $0x11C40;
	[sflag:s7] =	ssyncadd.s32 @!p0 $0xFFFFFC00  }
0x10c: {  	[spmem:s4] =	stream.indirect.scatter.add.f32 @!p0 [tilespmem:s5], [sflag:$0x9], $0x8, s11, s10, $0xb8;
	[tilespmem:$0x1D200] =	vst v63  }
0x10d: {  	s11 =	simm.s32 @!p0 $0x8  }
0x10e: {  	_ =	swait.ge @!p0 [sflag:s11], $0x2000  }
0x10f: {  	[sflag:s11] =	ssyncset.done @!p0 $0x0  }
0x110: {  	s12 =	simm.s32 @!p0 $0xFC40;
	[sflag:s11] =	ssyncadd.s32 @!p0 $0xFFFFE000;
	s11 =	simm.s32 @!p0 $0x4D80  }
0x111: {  	[tilespmem:s12], [sflag:$0x4] =	stream.indirect.gather @!p0 [hbm4b:s1+s10], $0x40, s11, s10, $0xb8;
	[tilespmem:$0x1D200] =	vst v63  }
0x112: {  	s11 =	simm.s32 @!p0 $0x2  }
0x113: {  	_ =	swait.ge @!p0 [sflag:s11], $0x2000  }
0x114: {  	[sflag:s11] =	ssyncset.done @!p0 $0x0  }
0x115: {  	s13 =	simm.s32 @!p0 $0xBC40;
	[sflag:s11] =	ssyncadd.s32 @!p0 $0xFFFFE000;
	s11 =	simm.s32 @!p0 $0x9AA0  }
0x116: {  	[spmem:s3] =	stream.indirect.scatter.add.f32 @!p0 [tilespmem:s13], [sflag:$0x6], $0x40, s11, s10, $0xb8;
	[tilespmem:$0x1D200] =	vst v63  }
0x117: {  	s11 =	simm.s32 @!p0 $0x5  }
0x118: {  	_ =	swait.ge @!p0 [sflag:s11], $0x2000  }
0x119: {  	[sflag:s11] =	ssyncset.done @!p0 $0x0  }
0x11a: {  	[sflag:s11] =	ssyncadd.s32 @!p0 $0xFFFFE000;
	s11 =	simm.s32 @!p0 $0x3  }
0x11b: {  	_ =	swait.ge @!p0 [sflag:s11], $0x2000  }
0x11c: {  	[sflag:s11] =	ssyncset.done @!p0 $0x0  }
0x11d: {  	s13 =	simm.s32 @!p0 $0xDC40;
	[sflag:s11] =	ssyncadd.s32 @!p0 $0xFFFFE000;
	s11 =	simm.s32 @!p0 $0x9B20  }
0x11e: {  	[spmem:s3] =	stream.indirect.scatter.add.f32 @!p0 [tilespmem:s13], [sflag:$0x7], $0x40, s11, s10, $0xb8;
	[tilespmem:$0x1D200] =	vst v63  }
0x11f: {  	_ =	swait.ge @!p0 [sflag:s8], $0x400  }
0x120: {  	[sflag:s8] =	ssyncset.done @!p0 $0x0  }
0x121: {  	[sflag:s8] =	ssyncadd.s32 @!p0 $0xFFFFFC00  }
0x122: {  	[spmem:s4] =	stream.indirect.scatter.add.f32 @!p0 [tilespmem:s5], [sflag:$0xB], $0x8, s11, s10, $0xb8;
	[tilespmem:$0x1D200] =	vst v63  }
0x123: {  	s11 =	simm.s32 @!p0 $0x6  }
0x124: {  	_ =	swait.ge @!p0 [sflag:s11], $0x2000  }
0x125: {  	[sflag:s11] =	ssyncset.done @!p0 $0x0  }
0x126: {  	[sflag:s11] =	ssyncadd.s32 @!p0 $0xFFFFE000;
	s11 =	simm.s32 @!p0 $0x4  }
0x127: {  	_ =	swait.ge @!p0 [sflag:s11], $0x2000  }
0x128: {  	[sflag:s11] =	ssyncset.done @!p0 $0x0  }
0x129: {  	[sflag:s11] =	ssyncadd.s32 @!p0 $0xFFFFE000;
	s11 =	simm.s32 @!p0 $0x9BA0  }
0x12a: {  	[spmem:s3] =	stream.indirect.scatter.add.f32 @!p0 [tilespmem:s12], [sflag:$0x8], $0x40, s11, s10, $0xb8;
	[tilespmem:$0x1D200] =	vst v63  }
0x12b: {  	_ =	swait.ge [sflag:s29], $0x2000  }
0x12c: {  	[sflag:s29] =	ssyncset.done $0x0  }
0x12d: {  	[sflag:s29] =	ssyncadd.s32 $0xFFFFE000  }
0x12e: {  	_ =	swait.ge [sflag:s31], $0x2000  }
0x12f: {  	[sflag:s31] =	ssyncset.done $0x0  }
0x130: {  	s7 =	simm.s32 @p0 $0xA;
	[sflag:s31] =	ssyncadd.s32 $0xFFFFE000  }
0x131: {  	_ =	swait.ge [sflag:s7], $0x400  }
0x132: {  	[sflag:s7] =	ssyncset.done $0x0  }
0x133: {  	s8 =	simm.s32 @p0 $0xC;
	[sflag:s7] =	ssyncadd.s32 $0xFFFFFC00  }
0x134: {  	_ =	swait.ge [sflag:s8], $0x400  }
0x135: {  	[sflag:s8] =	ssyncset.done $0x0  }
0x136: {  	s13 =	simm.s32 $0x4E00;
	s12 =	simm.s32 $0x20;
	[sflag:s8] =	ssyncadd.s32 $0xFFFFFC00  }
0x137: {  	[tilespmem:s21], [sflag:$0x1] =	stream.indirect.gather [hbm4b:s1+s12], $0x40, s13, s12, $0xb8;
	[tilespmem:$0x1D200] =	vst v63  }
0x138: {  	_ =	swait.ge [sflag:s28], $0x800  }
0x139: {  	[sflag:s28] =	ssyncset.done $0x0  }
0x13a: {  	s14 =	simm.s32 $0x9C20;
	[sflag:s28] =	ssyncadd.s32 $0xFFFFF800  }
0x13b: {  	[spmem:s3] =	stream.indirect.scatter.add.f32 [tilespmem:s21], [sflag:$0xD], $0x40, s14, s12, $0xb8;
	[tilespmem:$0x1D200] =	vst v63  }
0x13c: {  	_ =	swait.ge [sflag:s16], $0x800  }
0x13d: {  	[sflag:s16] =	ssyncset.done $0x0  }
0x13e: {  	s7 =	simm.s32 @!p0 $0x20;
	s8 =	simm.s32 @!p0 $0x9C20;
	[sflag:s16] =	ssyncadd.s32 $0xFFFFF800  }
0x13f: {  	[spmem:s4] =	stream.indirect.scatter.add.f32 @!p0 [tilespmem:s5], [sflag:$0xD], $0x8, s8, s7, $0xb8;
	[tilespmem:$0x1D200] =	vst v63  }
0x140: {  	s5 =	simm.s32 @!p0 $0xD  }
0x141: {  	_ =	swait.ge @!p0 [sflag:s5], $0x100  }
0x142: {  	[sflag:s5] =	ssyncset.done @!p0 $0x0  }
0x143: {  	[sflag:s5] =	ssyncadd.s32 @!p0 $0xFFFFFF00  }
0x144: {  	[bflag:$0x0] =	sbarrier.arrive $0xFFFF  }
0x145: {  	s15 =	rddreg [dreg:$0xb]  }
0x146: {  	[hbm:s15], [sflag:s9] =	dma.local [spmem:s17], $0x13C0  }
0x147: {  	_ =	swait.ge [sflag:s16], $0x13C0  }
0x148: {  	[sflag:s16] =	ssyncset.done $0x0;
	s19 =	rddreg [dreg:$0xc]  }
0x149: {  	s8 =	rddreg [dreg:$0xe];
	[sflag:s16] =	ssyncadd.s32 $0xFFFFEC40  }
0x14a: {  	[hbm:s19], [sflag:s9] =	dma.local [spmem:s8], $0x278  }
0x14b: {  	_ =	swait.ge [sflag:s16], $0x278  }
0x14c: {  	s6 =	sadd.s32 $0x1, s6;
	s30 =	rddreg [dreg:$0xd]  }
0x14d: {  	p2 =	sne.s32 s6, s30  }
.Ltmp2:
0x14e: {  	_ = 	snop;
	(pc) =	sbr.rel @p2 .LBB2_1-.Ltmp2, $3  }
0x14f: {  	_ =	sdelay $0x1  }
0x150: {  	s10 =	simm.s32 $0x4E20;
	[sflag:s16] =	ssyncset.done $0x0  }
0x151: {  	s13 =	simm.s32 $0x0;
	s7 =	smov.u32 s17;
	[sflag:s16] =	ssyncadd.s32 $0xFFFFFD88  }
0x152: {  	_ =	sfence.sel $0x180000  }
0x153: {  	[bflag:$0x0] =	sbarrier.arrive $0xFFFF  }
0x154: {  	_ =	strace $0x90000047  }
0x155: {  	s0 =	stileid.u32;
	[bflag:$0x2] =	sbarrier.arrive $0xFFFF  }
0x156: {  	p0 =	sne.s32 s0, $0x0;
	s0 =	rddreg [dreg:$0x5]  }
0x157: {  	s0 =	sadd.s32 @!p0 $0x100000, s0  }
0x158: {  	[sflag:s0] =	ssyncadd.tile.s32 @!p0 $0x1;
	_ =	shalt  }
.Lfunc_end2:
_tile_overlayer_lowered:
.L_overlay_start_2:
0x159: {  	(tag) =	ssettag $0x2  }
0x15a: {  	s0 =	rddreg [dreg:$0x0];
	s2 =	stileid.u32  }
0x15b: {  	s1 =	rddreg [dreg:$0x1];
	p0 =	sne.s32 s2, $0x0  }
0x15c: {  	s3 =	rddreg [dreg:$0x2];
	[bflag:$0x3] =	sbarrier.arrive $0xFFFF;
	s2 =	simm.s32 @!p0 $0x1C0D  }
0x15d: {  	[timem:s3], [sflag:s2] =	dma.local @!p0 [hbm:s0], s1  }
0x15e: {  	s0 =	simm.s32 @!p0 $0xD  }
0x15f: {  	_ =	swait.ge @!p0 [sflag:s0], s1  }
0x160: {  	s1 =	ssub.s32 @!p0 $0x0, s1;
	[sflag:s0] =	ssyncset.done @!p0 $0x0  }
0x161: {  	[sflag:s0] =	ssyncadd.s32 @!p0 s1  }
0x162: {  	[bflag:$0x3] =	sbarrier.arrive $0xFFFF  }
0x163: {  	_ =	shalt  }

</sc_bundles>
